<compile_context>
chip_gen: v7x
topology: tpu7x:2x2x1
jax: 0.10.2.dev20260603
libtpu: 0.0.44.dev20260713+nightly
codegen_flags: <defaults>
</compile_context>

<pallas_src>
import functools

import jax
import jax.numpy as jnp
from jax import lax
from jax.experimental import pallas as pl
from jax.experimental.pallas import tpu as pltpu
from jax.experimental.pallas import tpu_sc as plsc

_G = 128
_NC = 2
_NS = 16
_NW = _NC * _NS
_CHUNK = 128
_GC = 16


def _leaky(v):
    return jnp.where(v >= 0, v, 0.01 * v)



def _mm2_body(x_ref, wn_ref, ws_ref, xw_ref, xs_ref):
    x = x_ref[...]
    xw_ref[...] = jnp.dot(x, wn_ref[...], preferred_element_type=jnp.float32)
    xs_ref[...] = jnp.dot(x, ws_ref[...], preferred_element_type=jnp.float32)


def _mid_body(xs_ref, p_ref, b_ref, g_ref, be_ref, wn_ref, ws_ref,
              xw_ref, xs1_ref):
    h = xs_ref[...] + p_ref[0] + p_ref[1] + b_ref[...]
    mu = jnp.mean(h, axis=0, keepdims=True)
    d = h - mu
    var = jnp.mean(d * d, axis=0, keepdims=True)
    hn = g_ref[...] * d * lax.rsqrt(var + 1e-5) + be_ref[...]
    h = _leaky(hn)
    xw_ref[...] = jnp.dot(h, wn_ref[...], preferred_element_type=jnp.float32)
    xs1_ref[...] = jnp.dot(h, ws_ref[...], preferred_element_type=jnp.float32)


def _final_body(xs_ref, p_ref, b_ref, g_ref, be_ref, bi_ref,
                wr0_ref, br0_ref, wr1_ref, br1_ref, wo_ref, bo_ref, out_ref):
    h = xs_ref[...] + p_ref[0] + p_ref[1] + b_ref[...]
    mu = jnp.mean(h, axis=0, keepdims=True)
    d = h - mu
    var = jnp.mean(d * d, axis=0, keepdims=True)
    hn = g_ref[...] * d * lax.rsqrt(var + 1e-5) + be_ref[...]
    h = _leaky(hn)
    gids = lax.broadcasted_iota(jnp.int32, (_G, 1), 0)
    mask = (bi_ref[...] == gids).astype(jnp.float32)
    sums = jnp.dot(mask, h, preferred_element_type=jnp.float32)
    cnts = jnp.sum(mask, axis=1, keepdims=True)
    pooled = sums / jnp.maximum(cnts, 1.0)
    r = _leaky(jnp.dot(pooled, wr0_ref[...],
                       preferred_element_type=jnp.float32) + br0_ref[...])
    r = _leaky(jnp.dot(r, wr1_ref[...],
                       preferred_element_type=jnp.float32) + br1_ref[...])
    out_ref[...] = jnp.dot(r, wo_ref[...],
                           preferred_element_type=jnp.float32) + bo_ref[...]



@functools.lru_cache(maxsize=None)
def _build_sc_agg(n_nodes, nchunk, feat):
    npad = -(-n_nodes // 128) * 128
    if npad == n_nodes:
        npad += 128
    zrows = npad // _NS
    orows = zrows
    mesh = plsc.VectorSubcoreMesh(core_axis_name="c", subcore_axis_name="s")

    nchunk, nch0, nch1 = nchunk

    @functools.partial(
        pl.kernel,
        mesh=mesh,
        out_type=jax.ShapeDtypeStruct((_NC, npad, feat), jnp.float32),
        scratch_types=[
            pltpu.VMEM((nchunk, _CHUNK), jnp.int32),
            pltpu.VMEM((nchunk, _CHUNK), jnp.int32),
            pltpu.VMEM((_CHUNK, feat), jnp.float32),
            pltpu.VMEM_SHARED((npad, feat), jnp.float32),
            pltpu.SemaphoreType.DMA,
        ],
    )
    def agg(xw_hbm, src_hbm, dst_hbm, zeros_hbm, out_hbm,
            src_v, dst_v, rows_v, acc_sh, sem):
        c = lax.axis_index("c")
        s = lax.axis_index("s")
        wid = c * _NS + s
        pltpu.sync_copy(zeros_hbm.at[pl.ds(s * zrows, zrows)],
                        acc_sh.at[pl.ds(s * zrows, zrows)])
        pltpu.sync_copy(src_hbm.at[wid], src_v)
        pltpu.sync_copy(dst_hbm.at[wid], dst_v)
        plsc.subcore_barrier()

        def body(j, carry):
            pltpu.async_copy(xw_hbm.at[src_v.at[j]], rows_v, sem).wait()
            pltpu.sync_copy(rows_v, acc_sh.at[dst_v.at[j]], add=True)
            return carry

        nch = jnp.where(c == 0, nch0, nch1)
        lax.fori_loop(0, nch, body, 0)
        plsc.subcore_barrier()
        pltpu.sync_copy(acc_sh.at[pl.ds(s * orows, orows)],
                        out_hbm.at[c, pl.ds(s * orows, orows)])

    return agg


def _sc_aggregate(xw, src3, dst3, zeros, h_dim, nch0, nch1):
    n = xw.shape[0]
    p = _build_sc_agg(n, (src3.shape[1], nch0, nch1), xw.shape[1])(
        xw, src3, dst3, zeros)
    return p[:, :n, :h_dim]



def kernel(x, edge_index, batch_index,
           W_self0, W_nei0, b0, gamma0, beta0,
           W_self1, W_nei1, b1, gamma1, beta1,
           W_r0, b_r0, W_r1, b_r1, W_out, b_out):
    n, _ = x.shape
    h_dim = W_nei0.shape[1]
    e = edge_index.shape[1]

    src = edge_index[0].astype(jnp.int32)
    dst = edge_index[1].astype(jnp.int32)
    per_pair = -(-e // (_NS * _CHUNK))
    nch0 = max(1, round(per_pair * 0.63))
    nch1 = per_pair - nch0
    nch_max = max(nch0, nch1)
    epad = _NS * per_pair * _CHUNK
    if epad > e:
        src = jnp.concatenate([src, jnp.zeros((epad - e,), jnp.int32)])
        dst = jnp.concatenate([dst, jnp.full((epad - e,), n, jnp.int32)])
    e0 = _NS * nch0 * _CHUNK

    def slab(a, cnt, off, fill):
        m = a[off:off + _NS * cnt * _CHUNK].reshape(_NS, cnt, _CHUNK)
        if cnt < nch_max:
            m = jnp.pad(m, ((0, 0), (0, nch_max - cnt), (0, 0)),
                        constant_values=fill)
        return m

    src3 = jnp.concatenate([slab(src, nch0, 0, 0), slab(src, nch1, e0, 0)])
    dst3 = jnp.concatenate([slab(dst, nch0, 0, n), slab(dst, nch1, e0, n)])
    acc_rows = -(-n // 128) * 128
    if acc_rows == n:
        acc_rows += 128
    fpad = 128
    zeros = jnp.zeros((acc_rows, fpad), jnp.float32)
    wn0p = jnp.pad(W_nei0, ((0, 0), (0, fpad - h_dim)))
    wn1p = jnp.pad(W_nei1, ((0, 0), (0, fpad - h_dim)))

    b0r = b0.reshape(1, -1)
    b1r = b1.reshape(1, -1)

    xw0, xs0 = pl.pallas_call(
        _mm2_body,
        out_shape=[jax.ShapeDtypeStruct((n, fpad), jnp.float32),
                   jax.ShapeDtypeStruct((n, h_dim), jnp.float32)],
    )(x, wn0p, W_self0)

    p0 = _sc_aggregate(xw0, src3, dst3, zeros, h_dim, nch0, nch1)

    xw1, xs1 = pl.pallas_call(
        _mid_body,
        out_shape=[jax.ShapeDtypeStruct((n, fpad), jnp.float32),
                   jax.ShapeDtypeStruct((n, h_dim), jnp.float32)],
    )(xs0, p0, b0r, gamma0.reshape(1, -1),
      beta0.reshape(1, -1), wn1p, W_self1)

    p1 = _sc_aggregate(xw1, src3, dst3, zeros, h_dim, nch0, nch1)

    preds = pl.pallas_call(
        _final_body,
        out_shape=jax.ShapeDtypeStruct((_G, 1), jnp.float32),
    )(xs1, p1, b1r, gamma1.reshape(1, -1), beta1.reshape(1, -1),
      batch_index.astype(jnp.int32).reshape(1, n),
      W_r0, b_r0.reshape(1, -1), W_r1, b_r1.reshape(1, -1),
      W_out, b_out.reshape(1, -1))
    return preds.astype(jnp.float32)

# --- scband reference (transcript-rebuilt; emitter-appended) ---
"""Pipeline reference for scband-base-network-7825430413761 (READ-ONLY COPY).

The authoritative reference and input builder live on the scoring server;
editing this copy changes nothing except your own understanding.
"""

import jax, jax.numpy as jnp
import numpy as np

N = 10000      # nodes
E = 320000     # edges
D = 128        # n_node_features
H = 64         # embedding_dim
G = 128        # number of graphs in batch


def _leaky_relu(x):
    return jnp.where(x >= 0, x, 0.01 * x)


def _batch_norm(x, gamma, beta):
    mu = jnp.mean(x, axis=0)
    var = jnp.var(x, axis=0)
    return gamma * (x - mu) / jnp.sqrt(var + 1e-5) + beta


def _graph_conv(x, edge_index, W_self, W_nei, b):
    src = edge_index[0]
    dst = edge_index[1]
    msg = jnp.take(x, src, axis=0)
    agg = jax.ops.segment_sum(msg, dst, num_segments=N)
    return x @ W_self + agg @ W_nei + b


def setup_inputs(seed: int = 0) -> dict:
    key = jax.random.key(seed)
    ks = jax.random.split(key, 20)
    x = jax.random.normal(ks[0], (N, D), dtype=jnp.float32)
    edge_index = jax.random.randint(ks[1], (2, E), 0, N, dtype=jnp.int64)
    batch_index = jnp.sort(jax.random.randint(ks[2], (N,), 0, G, dtype=jnp.int64))
    def glorot(k, fi, fo):
        s = (2.0 / (fi + fo)) ** 0.5
        return jax.random.normal(k, (fi, fo), dtype=jnp.float32) * s
    return {
        "x": x,
        "edge_index": edge_index,
        "batch_index": batch_index,
        "W_self0": glorot(ks[3], D, H),
        "W_nei0": glorot(ks[4], D, H),
        "b0": jnp.zeros((H,), dtype=jnp.float32),
        "gamma0": jnp.ones((H,), dtype=jnp.float32),
        "beta0": jnp.zeros((H,), dtype=jnp.float32),
        "W_self1": glorot(ks[5], H, H),
        "W_nei1": glorot(ks[6], H, H),
        "b1": jnp.zeros((H,), dtype=jnp.float32),
        "gamma1": jnp.ones((H,), dtype=jnp.float32),
        "beta1": jnp.zeros((H,), dtype=jnp.float32),
        "W_r0": glorot(ks[7], H, H),
        "b_r0": jnp.zeros((H,), dtype=jnp.float32),
        "W_r1": glorot(ks[8], H, H),
        "b_r1": jnp.zeros((H,), dtype=jnp.float32),
        "W_out": glorot(ks[9], H, 1),
        "b_out": jnp.zeros((1,), dtype=jnp.float32),
    }


def reference(x, edge_index, batch_index,
              W_self0, W_nei0, b0, gamma0, beta0,
              W_self1, W_nei1, b1, gamma1, beta1,
              W_r0, b_r0, W_r1, b_r1, W_out, b_out):
    # conv block 0: dropout(leaky_relu(bn(conv(x)))) -- dropout is identity in eval
    h = _graph_conv(x, edge_index, W_self0, W_nei0, b0)
    h = _leaky_relu(_batch_norm(h, gamma0, beta0))
    # conv block 1
    h = _graph_conv(h, edge_index, W_self1, W_nei1, b1)
    h = _leaky_relu(_batch_norm(h, gamma1, beta1))
    # global mean pool per graph
    sums = jax.ops.segment_sum(h, batch_index, num_segments=G)
    cnts = jax.ops.segment_sum(jnp.ones((N, 1), dtype=h.dtype), batch_index, num_segments=G)
    pooled = sums / jnp.maximum(cnts, 1.0)
    # readout: two hidden layers with leaky_relu (+identity dropout), then output layer
    r = _leaky_relu(pooled @ W_r0 + b_r0)
    r = _leaky_relu(r @ W_r1 + b_r1)
    preds = r @ W_out + b_out
    return preds.astype(jnp.float32)

if __name__ == "__main__":
    import jax
    _d = setup_inputs()
    print(jax.jit(kernel)(*tuple(_d.values())))

</pallas_src>

<mosaic_0001>
#map = affine_map<(d0, d1) -> (0, 0)>
#map1 = affine_map<(d0, d1) -> (0, 0, 0)>
module attributes {stable_mosaic.version = 14 : i64} {
  func.func @agg(%arg0: i32, %arg1: i32, %arg2: memref<10000x128xf32, #tpu.memory_space<hbm>>, %arg3: memref<32x99x128xi32, #tpu.memory_space<hbm>>, %arg4: memref<32x99x128xi32, #tpu.memory_space<hbm>>, %arg5: memref<10112x128xf32, #tpu.memory_space<hbm>>, %arg6: memref<2x10112x128xf32, #tpu.memory_space<hbm>>, %arg7: memref<99x128xi32, #tpu.memory_space<vmem>>, %arg8: memref<99x128xi32, #tpu.memory_space<vmem>>, %arg9: memref<128x128xf32, #tpu.memory_space<vmem>>, %arg10: memref<10112x128xf32, #tpu.memory_space<vmem_shared>>, %arg11: memref<!tpu.dma_semaphore, #tpu.memory_space<semaphore_mem>>) attributes {dimension_semantics = [#tpu.dimension_semantics<core_parallel>, #tpu.dimension_semantics<subcore_parallel>], iteration_bounds = array<i64: 2, 16>, scalar_prefetch = 0 : i64, scratch_operands = 5 : i64, tpu.core_type = #tpu.core_type<sc_vector_subcore>, window_params = [{transform_indices = #map}, {transform_indices = #map1}, {transform_indices = #map1}, {transform_indices = #map}, {transform_indices = #map1}]} {
    %mul3A = arith.constant 16 : i32
    %mul3A_0 = arith.muli %arg0, %mul3A : i32
    %add3A = arith.addi %mul3A_0, %arg1 : i32
    %mul3A_1 = arith.constant 632 : i32
    %mul3A_2 = arith.muli %arg1, %mul3A_1 : i32
    %mul3A_3 = arith.constant 632 : i32
    %mul3A_4 = arith.muli %arg1, %mul3A_3 : i32
    "tpu.region"() ({
      %run_scoped3A = tpu.sem_alloc : memref<!tpu.dma_semaphore, #tpu.memory_space<semaphore_mem>>
      %dma_start3A = arith.constant 0 : i32
      %dma_start3A_21 = tpu.memref_slice %arg10[%mul3A_4, %dma_start3A] : memref<10112x128xf32, #tpu.memory_space<vmem_shared>> -> memref<632x128xf32, #tpu.memory_space<vmem_shared>>
      %dma_start3A_22 = arith.constant 0 : i32
      %dma_start3A_23 = tpu.memref_slice %arg5[%mul3A_2, %dma_start3A_22] : memref<10112x128xf32, #tpu.memory_space<hbm>> -> memref<632x128xf32, #tpu.memory_space<hbm>>
      tpu.enqueue_dma source(%dma_start3A_23 : memref<632x128xf32, #tpu.memory_space<hbm>>) target(%dma_start3A_21 : memref<632x128xf32, #tpu.memory_space<vmem_shared>>) target_semaphore(%run_scoped3A : memref<!tpu.dma_semaphore, #tpu.memory_space<semaphore_mem>>)
      %dma_wait3A = arith.constant 0 : i32
      %dma_wait3A_24 = tpu.memref_slice %arg10[%mul3A_4, %dma_wait3A] : memref<10112x128xf32, #tpu.memory_space<vmem_shared>> -> memref<632x128xf32, #tpu.memory_space<vmem_shared>>
      %dma_wait3A_25 = arith.constant 0 : i32
      %dma_wait3A_26 = tpu.memref_slice %arg5[%mul3A_2, %dma_wait3A_25] : memref<10112x128xf32, #tpu.memory_space<hbm>> -> memref<632x128xf32, #tpu.memory_space<hbm>>
      tpu.wait_dma2 semaphore(%run_scoped3A : memref<!tpu.dma_semaphore, #tpu.memory_space<semaphore_mem>>) src(%dma_wait3A_26 : memref<632x128xf32, #tpu.memory_space<hbm>>) dst(%dma_wait3A_24 : memref<632x128xf32, #tpu.memory_space<vmem_shared>>)
      tpu.yield
    }) : () -> ()
    "tpu.region"() ({
      %run_scoped3A = tpu.sem_alloc : memref<!tpu.dma_semaphore, #tpu.memory_space<semaphore_mem>>
      %dma_start3A = arith.constant 0 : i32
      %dma_start3A_21 = arith.constant 0 : i32
      %dma_start3A_22 = tpu.memref_slice %arg3[%add3A, %dma_start3A, %dma_start3A_21] : memref<32x99x128xi32, #tpu.memory_space<hbm>> -> memref<1x99x128xi32, #tpu.memory_space<hbm>>
      %dma_start3A_23 = tpu.memref_squeeze %dma_start3A_22 : memref<1x99x128xi32, #tpu.memory_space<hbm>> -> memref<99x128xi32, #tpu.memory_space<hbm>>
      %dma_start3A_24 = arith.constant 0 : i32
      %dma_start3A_25 = arith.constant 0 : i32
      %dma_start3A_26 = tpu.memref_slice %arg3[%add3A, %dma_start3A_24, %dma_start3A_25] : memref<32x99x128xi32, #tpu.memory_space<hbm>> -> memref<1x99x128xi32, #tpu.memory_space<hbm>>
      %dma_start3A_27 = tpu.memref_squeeze %dma_start3A_26 : memref<1x99x128xi32, #tpu.memory_space<hbm>> -> memref<99x128xi32, #tpu.memory_space<hbm>>
      tpu.enqueue_dma source(%dma_start3A_27 : memref<99x128xi32, #tpu.memory_space<hbm>>) target(%arg7 : memref<99x128xi32, #tpu.memory_space<vmem>>) target_semaphore(%run_scoped3A : memref<!tpu.dma_semaphore, #tpu.memory_space<semaphore_mem>>)
      %dma_wait3A = arith.constant 0 : i32
      %dma_wait3A_28 = arith.constant 0 : i32
      %dma_wait3A_29 = tpu.memref_slice %arg3[%add3A, %dma_wait3A, %dma_wait3A_28] : memref<32x99x128xi32, #tpu.memory_space<hbm>> -> memref<1x99x128xi32, #tpu.memory_space<hbm>>
      %dma_wait3A_30 = tpu.memref_squeeze %dma_wait3A_29 : memref<1x99x128xi32, #tpu.memory_space<hbm>> -> memref<99x128xi32, #tpu.memory_space<hbm>>
      %dma_wait3A_31 = arith.constant 0 : i32
      %dma_wait3A_32 = arith.constant 0 : i32
      %dma_wait3A_33 = tpu.memref_slice %arg3[%add3A, %dma_wait3A_31, %dma_wait3A_32] : memref<32x99x128xi32, #tpu.memory_space<hbm>> -> memref<1x99x128xi32, #tpu.memory_space<hbm>>
      %dma_wait3A_34 = tpu.memref_squeeze %dma_wait3A_33 : memref<1x99x128xi32, #tpu.memory_space<hbm>> -> memref<99x128xi32, #tpu.memory_space<hbm>>
      tpu.wait_dma2 semaphore(%run_scoped3A : memref<!tpu.dma_semaphore, #tpu.memory_space<semaphore_mem>>) src(%dma_wait3A_34 : memref<99x128xi32, #tpu.memory_space<hbm>>) dst(%arg7 : memref<99x128xi32, #tpu.memory_space<vmem>>)
      tpu.yield
    }) : () -> ()
    "tpu.region"() ({
      %run_scoped3A = tpu.sem_alloc : memref<!tpu.dma_semaphore, #tpu.memory_space<semaphore_mem>>
      %dma_start3A = arith.constant 0 : i32
      %dma_start3A_21 = arith.constant 0 : i32
      %dma_start3A_22 = tpu.memref_slice %arg4[%add3A, %dma_start3A, %dma_start3A_21] : memref<32x99x128xi32, #tpu.memory_space<hbm>> -> memref<1x99x128xi32, #tpu.memory_space<hbm>>
      %dma_start3A_23 = tpu.memref_squeeze %dma_start3A_22 : memref<1x99x128xi32, #tpu.memory_space<hbm>> -> memref<99x128xi32, #tpu.memory_space<hbm>>
      %dma_start3A_24 = arith.constant 0 : i32
      %dma_start3A_25 = arith.constant 0 : i32
      %dma_start3A_26 = tpu.memref_slice %arg4[%add3A, %dma_start3A_24, %dma_start3A_25] : memref<32x99x128xi32, #tpu.memory_space<hbm>> -> memref<1x99x128xi32, #tpu.memory_space<hbm>>
      %dma_start3A_27 = tpu.memref_squeeze %dma_start3A_26 : memref<1x99x128xi32, #tpu.memory_space<hbm>> -> memref<99x128xi32, #tpu.memory_space<hbm>>
      tpu.enqueue_dma source(%dma_start3A_27 : memref<99x128xi32, #tpu.memory_space<hbm>>) target(%arg8 : memref<99x128xi32, #tpu.memory_space<vmem>>) target_semaphore(%run_scoped3A : memref<!tpu.dma_semaphore, #tpu.memory_space<semaphore_mem>>)
      %dma_wait3A = arith.constant 0 : i32
      %dma_wait3A_28 = arith.constant 0 : i32
      %dma_wait3A_29 = tpu.memref_slice %arg4[%add3A, %dma_wait3A, %dma_wait3A_28] : memref<32x99x128xi32, #tpu.memory_space<hbm>> -> memref<1x99x128xi32, #tpu.memory_space<hbm>>
      %dma_wait3A_30 = tpu.memref_squeeze %dma_wait3A_29 : memref<1x99x128xi32, #tpu.memory_space<hbm>> -> memref<99x128xi32, #tpu.memory_space<hbm>>
      %dma_wait3A_31 = arith.constant 0 : i32
      %dma_wait3A_32 = arith.constant 0 : i32
      %dma_wait3A_33 = tpu.memref_slice %arg4[%add3A, %dma_wait3A_31, %dma_wait3A_32] : memref<32x99x128xi32, #tpu.memory_space<hbm>> -> memref<1x99x128xi32, #tpu.memory_space<hbm>>
      %dma_wait3A_34 = tpu.memref_squeeze %dma_wait3A_33 : memref<1x99x128xi32, #tpu.memory_space<hbm>> -> memref<99x128xi32, #tpu.memory_space<hbm>>
      tpu.wait_dma2 semaphore(%run_scoped3A : memref<!tpu.dma_semaphore, #tpu.memory_space<semaphore_mem>>) src(%dma_wait3A_34 : memref<99x128xi32, #tpu.memory_space<hbm>>) dst(%arg8 : memref<99x128xi32, #tpu.memory_space<vmem>>)
      tpu.yield
    }) : () -> ()
    %barrier3A = arith.constant 0 : index
    tpu.barrier barrier_id(%barrier3A)
    %eq3A = arith.constant 0 : i32
    %eq3A_5 = arith.cmpi eq, %arg0, %eq3A : i32
    %jit3A = arith.constant 99 : i32
    %jit3A_6 = arith.constant 58 : i32
    %select_n3A = arith.select %eq3A_5, %jit3A, %jit3A_6 : i32
    %while3A = arith.constant 0 : i32
    %while3A_7 = arith.constant 0 : i32
    %while3A_8 = arith.subi %select_n3A, %while3A_7 : i32
    %while3A_9 = arith.addi %while3A_7, %while3A_8 : i32
    %while3A_10 = arith.constant 1 : i32
    %while3A_11 = arith.divsi %while3A_8, %while3A_10 : i32
    %while3A_12 = arith.muli %while3A_11, %while3A_10 : i32
    %while3A_13 = arith.addi %while3A_7, %while3A_12 : i32
    %while3A_14 = arith.constant 1 : i32
    scf.for %while3A_21 = %while3A_7 to %while3A_13 step %while3A_14  : i32 {
      %dma_start3A = arith.constant 0 : i32
      %dma_start3A_22 = tpu.memref_slice %arg7[%while3A_21, %dma_start3A] : memref<99x128xi32, #tpu.memory_space<vmem>> -> memref<1x128xi32, #tpu.memory_space<vmem>>
      %dma_start3A_23 = tpu.memref_squeeze %dma_start3A_22 : memref<1x128xi32, #tpu.memory_space<vmem>> -> memref<128xi32, #tpu.memory_space<vmem>>
      %dma_start3A_24 = arith.constant 0 : i32
      %dma_start3A_25 = arith.constant 0 : i32
      %dma_start3A_26 = tpu.memref_slice %arg2[%dma_start3A_24, %dma_start3A_25] : memref<10000x128xf32, #tpu.memory_space<hbm>> -> memref<10000x128xf32, #tpu.memory_space<hbm>>
      tpu.enqueue_indirect_dma source(%dma_start3A_26 : memref<10000x128xf32, #tpu.memory_space<hbm>>) target(%arg9 : memref<128x128xf32, #tpu.memory_space<vmem>>) offsets(%dma_start3A_23 : memref<128xi32, #tpu.memory_space<vmem>>) semaphore(%arg11 : memref<!tpu.dma_semaphore, #tpu.memory_space<semaphore_mem>>)
      %dma_wait3A = arith.constant 0 : i32
      %dma_wait3A_27 = tpu.memref_slice %arg7[%while3A_21, %dma_wait3A] : memref<99x128xi32, #tpu.memory_space<vmem>> -> memref<1x128xi32, #tpu.memory_space<vmem>>
      %dma_wait3A_28 = tpu.memref_squeeze %dma_wait3A_27 : memref<1x128xi32, #tpu.memory_space<vmem>> -> memref<128xi32, #tpu.memory_space<vmem>>
      %dma_wait3A_29 = arith.constant 0 : i32
      %dma_wait3A_30 = arith.constant 0 : i32
      %dma_wait3A_31 = tpu.memref_slice %arg2[%dma_wait3A_29, %dma_wait3A_30] : memref<10000x128xf32, #tpu.memory_space<hbm>> -> memref<10000x128xf32, #tpu.memory_space<hbm>>
      tpu.wait_indirect_dma semaphore(%arg11 : memref<!tpu.dma_semaphore, #tpu.memory_space<semaphore_mem>>) src(%dma_wait3A_31 : memref<10000x128xf32, #tpu.memory_space<hbm>>) dst(%arg9 : memref<128x128xf32, #tpu.memory_space<vmem>>)
      "tpu.region"() ({
        %run_scoped3A = tpu.sem_alloc : memref<!tpu.dma_semaphore, #tpu.memory_space<semaphore_mem>>
        %dma_start3A_32 = arith.constant 0 : i32
        %dma_start3A_33 = tpu.memref_slice %arg8[%while3A_21, %dma_start3A_32] : memref<99x128xi32, #tpu.memory_space<vmem>> -> memref<1x128xi32, #tpu.memory_space<vmem>>
        %dma_start3A_34 = tpu.memref_squeeze %dma_start3A_33 : memref<1x128xi32, #tpu.memory_space<vmem>> -> memref<128xi32, #tpu.memory_space<vmem>>
        %dma_start3A_35 = arith.constant 0 : i32
        %dma_start3A_36 = arith.constant 0 : i32
        %dma_start3A_37 = tpu.memref_slice %arg10[%dma_start3A_35, %dma_start3A_36] : memref<10112x128xf32, #tpu.memory_space<vmem_shared>> -> memref<10112x128xf32, #tpu.memory_space<vmem_shared>>
        tpu.enqueue_indirect_dma source(%arg9 : memref<128x128xf32, #tpu.memory_space<vmem>>) target(%dma_start3A_37 : memref<10112x128xf32, #tpu.memory_space<vmem_shared>>) offsets(%dma_start3A_34 : memref<128xi32, #tpu.memory_space<vmem>>) semaphore(%run_scoped3A : memref<!tpu.dma_semaphore, #tpu.memory_space<semaphore_mem>>) {add = true}
        %dma_wait3A_38 = arith.constant 0 : i32
        %dma_wait3A_39 = tpu.memref_slice %arg8[%while3A_21, %dma_wait3A_38] : memref<99x128xi32, #tpu.memory_space<vmem>> -> memref<1x128xi32, #tpu.memory_space<vmem>>
        %dma_wait3A_40 = tpu.memref_squeeze %dma_wait3A_39 : memref<1x128xi32, #tpu.memory_space<vmem>> -> memref<128xi32, #tpu.memory_space<vmem>>
        %dma_wait3A_41 = arith.constant 0 : i32
        %dma_wait3A_42 = arith.constant 0 : i32
        %dma_wait3A_43 = tpu.memref_slice %arg10[%dma_wait3A_41, %dma_wait3A_42] : memref<10112x128xf32, #tpu.memory_space<vmem_shared>> -> memref<10112x128xf32, #tpu.memory_space<vmem_shared>>
        tpu.wait_indirect_dma semaphore(%run_scoped3A : memref<!tpu.dma_semaphore, #tpu.memory_space<semaphore_mem>>) src(%arg9 : memref<128x128xf32, #tpu.memory_space<vmem>>) dst(%dma_wait3A_43 : memref<10112x128xf32, #tpu.memory_space<vmem_shared>>)
        tpu.yield
      }) : () -> ()
    }
    %while3A_15 = arith.constant 1 : i32
    scf.for %while3A_21 = %while3A_13 to %while3A_9 step %while3A_15  : i32 {
      %dma_start3A = arith.constant 0 : i32
      %dma_start3A_22 = tpu.memref_slice %arg7[%while3A_21, %dma_start3A] : memref<99x128xi32, #tpu.memory_space<vmem>> -> memref<1x128xi32, #tpu.memory_space<vmem>>
      %dma_start3A_23 = tpu.memref_squeeze %dma_start3A_22 : memref<1x128xi32, #tpu.memory_space<vmem>> -> memref<128xi32, #tpu.memory_space<vmem>>
      %dma_start3A_24 = arith.constant 0 : i32
      %dma_start3A_25 = arith.constant 0 : i32
      %dma_start3A_26 = tpu.memref_slice %arg2[%dma_start3A_24, %dma_start3A_25] : memref<10000x128xf32, #tpu.memory_space<hbm>> -> memref<10000x128xf32, #tpu.memory_space<hbm>>
      tpu.enqueue_indirect_dma source(%dma_start3A_26 : memref<10000x128xf32, #tpu.memory_space<hbm>>) target(%arg9 : memref<128x128xf32, #tpu.memory_space<vmem>>) offsets(%dma_start3A_23 : memref<128xi32, #tpu.memory_space<vmem>>) semaphore(%arg11 : memref<!tpu.dma_semaphore, #tpu.memory_space<semaphore_mem>>)
      %dma_wait3A = arith.constant 0 : i32
      %dma_wait3A_27 = tpu.memref_slice %arg7[%while3A_21, %dma_wait3A] : memref<99x128xi32, #tpu.memory_space<vmem>> -> memref<1x128xi32, #tpu.memory_space<vmem>>
      %dma_wait3A_28 = tpu.memref_squeeze %dma_wait3A_27 : memref<1x128xi32, #tpu.memory_space<vmem>> -> memref<128xi32, #tpu.memory_space<vmem>>
      %dma_wait3A_29 = arith.constant 0 : i32
      %dma_wait3A_30 = arith.constant 0 : i32
      %dma_wait3A_31 = tpu.memref_slice %arg2[%dma_wait3A_29, %dma_wait3A_30] : memref<10000x128xf32, #tpu.memory_space<hbm>> -> memref<10000x128xf32, #tpu.memory_space<hbm>>
      tpu.wait_indirect_dma semaphore(%arg11 : memref<!tpu.dma_semaphore, #tpu.memory_space<semaphore_mem>>) src(%dma_wait3A_31 : memref<10000x128xf32, #tpu.memory_space<hbm>>) dst(%arg9 : memref<128x128xf32, #tpu.memory_space<vmem>>)
      "tpu.region"() ({
        %run_scoped3A = tpu.sem_alloc : memref<!tpu.dma_semaphore, #tpu.memory_space<semaphore_mem>>
        %dma_start3A_32 = arith.constant 0 : i32
        %dma_start3A_33 = tpu.memref_slice %arg8[%while3A_21, %dma_start3A_32] : memref<99x128xi32, #tpu.memory_space<vmem>> -> memref<1x128xi32, #tpu.memory_space<vmem>>
        %dma_start3A_34 = tpu.memref_squeeze %dma_start3A_33 : memref<1x128xi32, #tpu.memory_space<vmem>> -> memref<128xi32, #tpu.memory_space<vmem>>
        %dma_start3A_35 = arith.constant 0 : i32
        %dma_start3A_36 = arith.constant 0 : i32
        %dma_start3A_37 = tpu.memref_slice %arg10[%dma_start3A_35, %dma_start3A_36] : memref<10112x128xf32, #tpu.memory_space<vmem_shared>> -> memref<10112x128xf32, #tpu.memory_space<vmem_shared>>
        tpu.enqueue_indirect_dma source(%arg9 : memref<128x128xf32, #tpu.memory_space<vmem>>) target(%dma_start3A_37 : memref<10112x128xf32, #tpu.memory_space<vmem_shared>>) offsets(%dma_start3A_34 : memref<128xi32, #tpu.memory_space<vmem>>) semaphore(%run_scoped3A : memref<!tpu.dma_semaphore, #tpu.memory_space<semaphore_mem>>) {add = true}
        %dma_wait3A_38 = arith.constant 0 : i32
        %dma_wait3A_39 = tpu.memref_slice %arg8[%while3A_21, %dma_wait3A_38] : memref<99x128xi32, #tpu.memory_space<vmem>> -> memref<1x128xi32, #tpu.memory_space<vmem>>
        %dma_wait3A_40 = tpu.memref_squeeze %dma_wait3A_39 : memref<1x128xi32, #tpu.memory_space<vmem>> -> memref<128xi32, #tpu.memory_space<vmem>>
        %dma_wait3A_41 = arith.constant 0 : i32
        %dma_wait3A_42 = arith.constant 0 : i32
        %dma_wait3A_43 = tpu.memref_slice %arg10[%dma_wait3A_41, %dma_wait3A_42] : memref<10112x128xf32, #tpu.memory_space<vmem_shared>> -> memref<10112x128xf32, #tpu.memory_space<vmem_shared>>
        tpu.wait_indirect_dma semaphore(%run_scoped3A : memref<!tpu.dma_semaphore, #tpu.memory_space<semaphore_mem>>) src(%arg9 : memref<128x128xf32, #tpu.memory_space<vmem>>) dst(%dma_wait3A_43 : memref<10112x128xf32, #tpu.memory_space<vmem_shared>>)
        tpu.yield
      }) : () -> ()
    }
    %barrier3A_16 = arith.constant 0 : index
    tpu.barrier barrier_id(%barrier3A_16)
    %mul3A_17 = arith.constant 632 : i32
    %mul3A_18 = arith.muli %arg1, %mul3A_17 : i32
    %mul3A_19 = arith.constant 632 : i32
    %mul3A_20 = arith.muli %arg1, %mul3A_19 : i32
    "tpu.region"() ({
      %run_scoped3A = tpu.sem_alloc : memref<!tpu.dma_semaphore, #tpu.memory_space<semaphore_mem>>
      %dma_start3A = arith.constant 0 : i32
      %dma_start3A_21 = tpu.memref_slice %arg6[%arg0, %mul3A_20, %dma_start3A] : memref<2x10112x128xf32, #tpu.memory_space<hbm>> -> memref<1x632x128xf32, #tpu.memory_space<hbm>>
      %dma_start3A_22 = tpu.memref_squeeze %dma_start3A_21 : memref<1x632x128xf32, #tpu.memory_space<hbm>> -> memref<632x128xf32, #tpu.memory_space<hbm>>
      %dma_start3A_23 = arith.constant 0 : i32
      %dma_start3A_24 = tpu.memref_slice %arg10[%mul3A_18, %dma_start3A_23] : memref<10112x128xf32, #tpu.memory_space<vmem_shared>> -> memref<632x128xf32, #tpu.memory_space<vmem_shared>>
      tpu.enqueue_dma source(%dma_start3A_24 : memref<632x128xf32, #tpu.memory_space<vmem_shared>>) target(%dma_start3A_22 : memref<632x128xf32, #tpu.memory_space<hbm>>) target_semaphore(%run_scoped3A : memref<!tpu.dma_semaphore, #tpu.memory_space<semaphore_mem>>)
      %dma_wait3A = arith.constant 0 : i32
      %dma_wait3A_25 = tpu.memref_slice %arg6[%arg0, %mul3A_20, %dma_wait3A] : memref<2x10112x128xf32, #tpu.memory_space<hbm>> -> memref<1x632x128xf32, #tpu.memory_space<hbm>>
      %dma_wait3A_26 = tpu.memref_squeeze %dma_wait3A_25 : memref<1x632x128xf32, #tpu.memory_space<hbm>> -> memref<632x128xf32, #tpu.memory_space<hbm>>
      %dma_wait3A_27 = arith.constant 0 : i32
      %dma_wait3A_28 = tpu.memref_slice %arg10[%mul3A_18, %dma_wait3A_27] : memref<10112x128xf32, #tpu.memory_space<vmem_shared>> -> memref<632x128xf32, #tpu.memory_space<vmem_shared>>
      tpu.wait_dma2 semaphore(%run_scoped3A : memref<!tpu.dma_semaphore, #tpu.memory_space<semaphore_mem>>) src(%dma_wait3A_28 : memref<632x128xf32, #tpu.memory_space<vmem_shared>>) dst(%dma_wait3A_26 : memref<632x128xf32, #tpu.memory_space<hbm>>)
      tpu.yield
    }) : () -> ()
    return
  }
}

#map = affine_map<(d0, d1) -> (0, 0)>
#map1 = affine_map<(d0, d1) -> (0, 0, 0)>
module attributes {stable_mosaic.version = 14 : i64} {
  func.func @agg(%arg0: i32, %arg1: i32, %arg2: memref<10000x128xf32, #tpu.memory_space<hbm>>, %arg3: memref<32x99x128xi32, #tpu.memory_space<hbm>>, %arg4: memref<32x99x128xi32, #tpu.memory_space<hbm>>, %arg5: memref<10112x128xf32, #tpu.memory_space<hbm>>, %arg6: memref<2x10112x128xf32, #tpu.memory_space<hbm>>, %arg7: memref<99x128xi32, #tpu.memory_space<vmem>>, %arg8: memref<99x128xi32, #tpu.memory_space<vmem>>, %arg9: memref<128x128xf32, #tpu.memory_space<vmem>>, %arg10: memref<10112x128xf32, #tpu.memory_space<vmem_shared>>, %arg11: memref<!tpu.dma_semaphore, #tpu.memory_space<semaphore_mem>>) attributes {dimension_semantics = [#tpu.dimension_semantics<core_parallel>, #tpu.dimension_semantics<subcore_parallel>], iteration_bounds = array<i64: 2, 16>, scalar_prefetch = 0 : i64, scratch_operands = 5 : i64, tpu.core_type = #tpu.core_type<sc_vector_subcore>, window_params = [{transform_indices = #map}, {transform_indices = #map1}, {transform_indices = #map1}, {transform_indices = #map}, {transform_indices = #map1}]} {
    %mul3A = arith.constant 16 : i32
    %mul3A_0 = arith.muli %arg0, %mul3A : i32
    %add3A = arith.addi %mul3A_0, %arg1 : i32
    %mul3A_1 = arith.constant 632 : i32
    %mul3A_2 = arith.muli %arg1, %mul3A_1 : i32
    %mul3A_3 = arith.constant 632 : i32
    %mul3A_4 = arith.muli %arg1, %mul3A_3 : i32
    "tpu.region"() ({
      %run_scoped3A = tpu.sem_alloc : memref<!tpu.dma_semaphore, #tpu.memory_space<semaphore_mem>>
      %dma_start3A = arith.constant 0 : i32
      %dma_start3A_21 = tpu.memref_slice %arg10[%mul3A_4, %dma_start3A] : memref<10112x128xf32, #tpu.memory_space<vmem_shared>> -> memref<632x128xf32, #tpu.memory_space<vmem_shared>>
      %dma_start3A_22 = arith.constant 0 : i32
      %dma_start3A_23 = tpu.memref_slice %arg5[%mul3A_2, %dma_start3A_22] : memref<10112x128xf32, #tpu.memory_space<hbm>> -> memref<632x128xf32, #tpu.memory_space<hbm>>
      tpu.enqueue_dma source(%dma_start3A_23 : memref<632x128xf32, #tpu.memory_space<hbm>>) target(%dma_start3A_21 : memref<632x128xf32, #tpu.memory_space<vmem_shared>>) target_semaphore(%run_scoped3A : memref<!tpu.dma_semaphore, #tpu.memory_space<semaphore_mem>>)
      %dma_wait3A = arith.constant 0 : i32
      %dma_wait3A_24 = tpu.memref_slice %arg10[%mul3A_4, %dma_wait3A] : memref<10112x128xf32, #tpu.memory_space<vmem_shared>> -> memref<632x128xf32, #tpu.memory_space<vmem_shared>>
      %dma_wait3A_25 = arith.constant 0 : i32
      %dma_wait3A_26 = tpu.memref_slice %arg5[%mul3A_2, %dma_wait3A_25] : memref<10112x128xf32, #tpu.memory_space<hbm>> -> memref<632x128xf32, #tpu.memory_space<hbm>>
      tpu.wait_dma2 semaphore(%run_scoped3A : memref<!tpu.dma_semaphore, #tpu.memory_space<semaphore_mem>>) src(%dma_wait3A_26 : memref<632x128xf32, #tpu.memory_space<hbm>>) dst(%dma_wait3A_24 : memref<632x128xf32, #tpu.memory_space<vmem_shared>>)
      tpu.yield
    }) : () -> ()
    "tpu.region"() ({
      %run_scoped3A = tpu.sem_alloc : memref<!tpu.dma_semaphore, #tpu.memory_space<semaphore_mem>>
      %dma_start3A = arith.constant 0 : i32
      %dma_start3A_21 = arith.constant 0 : i32
      %dma_start3A_22 = tpu.memref_slice %arg3[%add3A, %dma_start3A, %dma_start3A_21] : memref<32x99x128xi32, #tpu.memory_space<hbm>> -> memref<1x99x128xi32, #tpu.memory_space<hbm>>
      %dma_start3A_23 = tpu.memref_squeeze %dma_start3A_22 : memref<1x99x128xi32, #tpu.memory_space<hbm>> -> memref<99x128xi32, #tpu.memory_space<hbm>>
      %dma_start3A_24 = arith.constant 0 : i32
      %dma_start3A_25 = arith.constant 0 : i32
      %dma_start3A_26 = tpu.memref_slice %arg3[%add3A, %dma_start3A_24, %dma_start3A_25] : memref<32x99x128xi32, #tpu.memory_space<hbm>> -> memref<1x99x128xi32, #tpu.memory_space<hbm>>
      %dma_start3A_27 = tpu.memref_squeeze %dma_start3A_26 : memref<1x99x128xi32, #tpu.memory_space<hbm>> -> memref<99x128xi32, #tpu.memory_space<hbm>>
      tpu.enqueue_dma source(%dma_start3A_27 : memref<99x128xi32, #tpu.memory_space<hbm>>) target(%arg7 : memref<99x128xi32, #tpu.memory_space<vmem>>) target_semaphore(%run_scoped3A : memref<!tpu.dma_semaphore, #tpu.memory_space<semaphore_mem>>)
      %dma_wait3A = arith.constant 0 : i32
      %dma_wait3A_28 = arith.constant 0 : i32
      %dma_wait3A_29 = tpu.memref_slice %arg3[%add3A, %dma_wait3A, %dma_wait3A_28] : memref<32x99x128xi32, #tpu.memory_space<hbm>> -> memref<1x99x128xi32, #tpu.memory_space<hbm>>
      %dma_wait3A_30 = tpu.memref_squeeze %dma_wait3A_29 : memref<1x99x128xi32, #tpu.memory_space<hbm>> -> memref<99x128xi32, #tpu.memory_space<hbm>>
      %dma_wait3A_31 = arith.constant 0 : i32
      %dma_wait3A_32 = arith.constant 0 : i32
      %dma_wait3A_33 = tpu.memref_slice %arg3[%add3A, %dma_wait3A_31, %dma_wait3A_32] : memref<32x99x128xi32, #tpu.memory_space<hbm>> -> memref<1x99x128xi32, #tpu.memory_space<hbm>>
      %dma_wait3A_34 = tpu.memref_squeeze %dma_wait3A_33 : memref<1x99x128xi32, #tpu.memory_space<hbm>> -> memref<99x128xi32, #tpu.memory_space<hbm>>
      tpu.wait_dma2 semaphore(%run_scoped3A : memref<!tpu.dma_semaphore, #tpu.memory_space<semaphore_mem>>) src(%dma_wait3A_34 : memref<99x128xi32, #tpu.memory_space<hbm>>) dst(%arg7 : memref<99x128xi32, #tpu.memory_space<vmem>>)
      tpu.yield
    }) : () -> ()
    "tpu.region"() ({
      %run_scoped3A = tpu.sem_alloc : memref<!tpu.dma_semaphore, #tpu.memory_space<semaphore_mem>>
      %dma_start3A = arith.constant 0 : i32
      %dma_start3A_21 = arith.constant 0 : i32
      %dma_start3A_22 = tpu.memref_slice %arg4[%add3A, %dma_start3A, %dma_start3A_21] : memref<32x99x128xi32, #tpu.memory_space<hbm>> -> memref<1x99x128xi32, #tpu.memory_space<hbm>>
      %dma_start3A_23 = tpu.memref_squeeze %dma_start3A_22 : memref<1x99x128xi32, #tpu.memory_space<hbm>> -> memref<99x128xi32, #tpu.memory_space<hbm>>
      %dma_start3A_24 = arith.constant 0 : i32
      %dma_start3A_25 = arith.constant 0 : i32
      %dma_start3A_26 = tpu.memref_slice %arg4[%add3A, %dma_start3A_24, %dma_start3A_25] : memref<32x99x128xi32, #tpu.memory_space<hbm>> -> memref<1x99x128xi32, #tpu.memory_space<hbm>>
      %dma_start3A_27 = tpu.memref_squeeze %dma_start3A_26 : memref<1x99x128xi32, #tpu.memory_space<hbm>> -> memref<99x128xi32, #tpu.memory_space<hbm>>
      tpu.enqueue_dma source(%dma_start3A_27 : memref<99x128xi32, #tpu.memory_space<hbm>>) target(%arg8 : memref<99x128xi32, #tpu.memory_space<vmem>>) target_semaphore(%run_scoped3A : memref<!tpu.dma_semaphore, #tpu.memory_space<semaphore_mem>>)
      %dma_wait3A = arith.constant 0 : i32
      %dma_wait3A_28 = arith.constant 0 : i32
      %dma_wait3A_29 = tpu.memref_slice %arg4[%add3A, %dma_wait3A, %dma_wait3A_28] : memref<32x99x128xi32, #tpu.memory_space<hbm>> -> memref<1x99x128xi32, #tpu.memory_space<hbm>>
      %dma_wait3A_30 = tpu.memref_squeeze %dma_wait3A_29 : memref<1x99x128xi32, #tpu.memory_space<hbm>> -> memref<99x128xi32, #tpu.memory_space<hbm>>
      %dma_wait3A_31 = arith.constant 0 : i32
      %dma_wait3A_32 = arith.constant 0 : i32
      %dma_wait3A_33 = tpu.memref_slice %arg4[%add3A, %dma_wait3A_31, %dma_wait3A_32] : memref<32x99x128xi32, #tpu.memory_space<hbm>> -> memref<1x99x128xi32, #tpu.memory_space<hbm>>
      %dma_wait3A_34 = tpu.memref_squeeze %dma_wait3A_33 : memref<1x99x128xi32, #tpu.memory_space<hbm>> -> memref<99x128xi32, #tpu.memory_space<hbm>>
      tpu.wait_dma2 semaphore(%run_scoped3A : memref<!tpu.dma_semaphore, #tpu.memory_space<semaphore_mem>>) src(%dma_wait3A_34 : memref<99x128xi32, #tpu.memory_space<hbm>>) dst(%arg8 : memref<99x128xi32, #tpu.memory_space<vmem>>)
      tpu.yield
    }) : () -> ()
    %barrier3A = arith.constant 0 : index
    tpu.barrier barrier_id(%barrier3A)
    %eq3A = arith.constant 0 : i32
    %eq3A_5 = arith.cmpi eq, %arg0, %eq3A : i32
    %jit3A = arith.constant 99 : i32
    %jit3A_6 = arith.constant 58 : i32
    %select_n3A = arith.select %eq3A_5, %jit3A, %jit3A_6 : i32
    %while3A = arith.constant 0 : i32
    %while3A_7 = arith.constant 0 : i32
    %while3A_8 = arith.subi %select_n3A, %while3A_7 : i32
    %while3A_9 = arith.addi %while3A_7, %while3A_8 : i32
    %while3A_10 = arith.constant 1 : i32
    %while3A_11 = arith.divsi %while3A_8, %while3A_10 : i32
    %while3A_12 = arith.muli %while3A_11, %while3A_10 : i32
    %while3A_13 = arith.addi %while3A_7, %while3A_12 : i32
    %while3A_14 = arith.constant 1 : i32
    scf.for %while3A_21 = %while3A_7 to %while3A_13 step %while3A_14  : i32 {
      %dma_start3A = arith.constant 0 : i32
      %dma_start3A_22 = tpu.memref_slice %arg7[%while3A_21, %dma_start3A] : memref<99x128xi32, #tpu.memory_space<vmem>> -> memref<1x128xi32, #tpu.memory_space<vmem>>
      %dma_start3A_23 = tpu.memref_squeeze %dma_start3A_22 : memref<1x128xi32, #tpu.memory_space<vmem>> -> memref<128xi32, #tpu.memory_space<vmem>>
      %dma_start3A_24 = arith.constant 0 : i32
      %dma_start3A_25 = arith.constant 0 : i32
      %dma_start3A_26 = tpu.memref_slice %arg2[%dma_start3A_24, %dma_start3A_25] : memref<10000x128xf32, #tpu.memory_space<hbm>> -> memref<10000x128xf32, #tpu.memory_space<hbm>>
      tpu.enqueue_indirect_dma source(%dma_start3A_26 : memref<10000x128xf32, #tpu.memory_space<hbm>>) target(%arg9 : memref<128x128xf32, #tpu.memory_space<vmem>>) offsets(%dma_start3A_23 : memref<128xi32, #tpu.memory_space<vmem>>) semaphore(%arg11 : memref<!tpu.dma_semaphore, #tpu.memory_space<semaphore_mem>>)
      %dma_wait3A = arith.constant 0 : i32
      %dma_wait3A_27 = tpu.memref_slice %arg7[%while3A_21, %dma_wait3A] : memref<99x128xi32, #tpu.memory_space<vmem>> -> memref<1x128xi32, #tpu.memory_space<vmem>>
      %dma_wait3A_28 = tpu.memref_squeeze %dma_wait3A_27 : memref<1x128xi32, #tpu.memory_space<vmem>> -> memref<128xi32, #tpu.memory_space<vmem>>
      %dma_wait3A_29 = arith.constant 0 : i32
      %dma_wait3A_30 = arith.constant 0 : i32
      %dma_wait3A_31 = tpu.memref_slice %arg2[%dma_wait3A_29, %dma_wait3A_30] : memref<10000x128xf32, #tpu.memory_space<hbm>> -> memref<10000x128xf32, #tpu.memory_space<hbm>>
      tpu.wait_indirect_dma semaphore(%arg11 : memref<!tpu.dma_semaphore, #tpu.memory_space<semaphore_mem>>) src(%dma_wait3A_31 : memref<10000x128xf32, #tpu.memory_space<hbm>>) dst(%arg9 : memref<128x128xf32, #tpu.memory_space<vmem>>)
      "tpu.region"() ({
        %run_scoped3A = tpu.sem_alloc : memref<!tpu.dma_semaphore, #tpu.memory_space<semaphore_mem>>
        %dma_start3A_32 = arith.constant 0 : i32
        %dma_start3A_33 = tpu.memref_slice %arg8[%while3A_21, %dma_start3A_32] : memref<99x128xi32, #tpu.memory_space<vmem>> -> memref<1x128xi32, #tpu.memory_space<vmem>>
        %dma_start3A_34 = tpu.memref_squeeze %dma_start3A_33 : memref<1x128xi32, #tpu.memory_space<vmem>> -> memref<128xi32, #tpu.memory_space<vmem>>
        %dma_start3A_35 = arith.constant 0 : i32
        %dma_start3A_36 = arith.constant 0 : i32
        %dma_start3A_37 = tpu.memref_slice %arg10[%dma_start3A_35, %dma_start3A_36] : memref<10112x128xf32, #tpu.memory_space<vmem_shared>> -> memref<10112x128xf32, #tpu.memory_space<vmem_shared>>
        tpu.enqueue_indirect_dma source(%arg9 : memref<128x128xf32, #tpu.memory_space<vmem>>) target(%dma_start3A_37 : memref<10112x128xf32, #tpu.memory_space<vmem_shared>>) offsets(%dma_start3A_34 : memref<128xi32, #tpu.memory_space<vmem>>) semaphore(%run_scoped3A : memref<!tpu.dma_semaphore, #tpu.memory_space<semaphore_mem>>) {add = true}
        %dma_wait3A_38 = arith.constant 0 : i32
        %dma_wait3A_39 = tpu.memref_slice %arg8[%while3A_21, %dma_wait3A_38] : memref<99x128xi32, #tpu.memory_space<vmem>> -> memref<1x128xi32, #tpu.memory_space<vmem>>
        %dma_wait3A_40 = tpu.memref_squeeze %dma_wait3A_39 : memref<1x128xi32, #tpu.memory_space<vmem>> -> memref<128xi32, #tpu.memory_space<vmem>>
        %dma_wait3A_41 = arith.constant 0 : i32
        %dma_wait3A_42 = arith.constant 0 : i32
        %dma_wait3A_43 = tpu.memref_slice %arg10[%dma_wait3A_41, %dma_wait3A_42] : memref<10112x128xf32, #tpu.memory_space<vmem_shared>> -> memref<10112x128xf32, #tpu.memory_space<vmem_shared>>
        tpu.wait_indirect_dma semaphore(%run_scoped3A : memref<!tpu.dma_semaphore, #tpu.memory_space<semaphore_mem>>) src(%arg9 : memref<128x128xf32, #tpu.memory_space<vmem>>) dst(%dma_wait3A_43 : memref<10112x128xf32, #tpu.memory_space<vmem_shared>>)
        tpu.yield
      }) : () -> ()
    }
    %while3A_15 = arith.constant 1 : i32
    scf.for %while3A_21 = %while3A_13 to %while3A_9 step %while3A_15  : i32 {
      %dma_start3A = arith.constant 0 : i32
      %dma_start3A_22 = tpu.memref_slice %arg7[%while3A_21, %dma_start3A] : memref<99x128xi32, #tpu.memory_space<vmem>> -> memref<1x128xi32, #tpu.memory_space<vmem>>
      %dma_start3A_23 = tpu.memref_squeeze %dma_start3A_22 : memref<1x128xi32, #tpu.memory_space<vmem>> -> memref<128xi32, #tpu.memory_space<vmem>>
      %dma_start3A_24 = arith.constant 0 : i32
      %dma_start3A_25 = arith.constant 0 : i32
      %dma_start3A_26 = tpu.memref_slice %arg2[%dma_start3A_24, %dma_start3A_25] : memref<10000x128xf32, #tpu.memory_space<hbm>> -> memref<10000x128xf32, #tpu.memory_space<hbm>>
      tpu.enqueue_indirect_dma source(%dma_start3A_26 : memref<10000x128xf32, #tpu.memory_space<hbm>>) target(%arg9 : memref<128x128xf32, #tpu.memory_space<vmem>>) offsets(%dma_start3A_23 : memref<128xi32, #tpu.memory_space<vmem>>) semaphore(%arg11 : memref<!tpu.dma_semaphore, #tpu.memory_space<semaphore_mem>>)
      %dma_wait3A = arith.constant 0 : i32
      %dma_wait3A_27 = tpu.memref_slice %arg7[%while3A_21, %dma_wait3A] : memref<99x128xi32, #tpu.memory_space<vmem>> -> memref<1x128xi32, #tpu.memory_space<vmem>>
      %dma_wait3A_28 = tpu.memref_squeeze %dma_wait3A_27 : memref<1x128xi32, #tpu.memory_space<vmem>> -> memref<128xi32, #tpu.memory_space<vmem>>
      %dma_wait3A_29 = arith.constant 0 : i32
      %dma_wait3A_30 = arith.constant 0 : i32
      %dma_wait3A_31 = tpu.memref_slice %arg2[%dma_wait3A_29, %dma_wait3A_30] : memref<10000x128xf32, #tpu.memory_space<hbm>> -> memref<10000x128xf32, #tpu.memory_space<hbm>>
      tpu.wait_indirect_dma semaphore(%arg11 : memref<!tpu.dma_semaphore, #tpu.memory_space<semaphore_mem>>) src(%dma_wait3A_31 : memref<10000x128xf32, #tpu.memory_space<hbm>>) dst(%arg9 : memref<128x128xf32, #tpu.memory_space<vmem>>)
      "tpu.region"() ({
        %run_scoped3A = tpu.sem_alloc : memref<!tpu.dma_semaphore, #tpu.memory_space<semaphore_mem>>
        %dma_start3A_32 = arith.constant 0 : i32
        %dma_start3A_33 = tpu.memref_slice %arg8[%while3A_21, %dma_start3A_32] : memref<99x128xi32, #tpu.memory_space<vmem>> -> memref<1x128xi32, #tpu.memory_space<vmem>>
        %dma_start3A_34 = tpu.memref_squeeze %dma_start3A_33 : memref<1x128xi32, #tpu.memory_space<vmem>> -> memref<128xi32, #tpu.memory_space<vmem>>
        %dma_start3A_35 = arith.constant 0 : i32
        %dma_start3A_36 = arith.constant 0 : i32
        %dma_start3A_37 = tpu.memref_slice %arg10[%dma_start3A_35, %dma_start3A_36] : memref<10112x128xf32, #tpu.memory_space<vmem_shared>> -> memref<10112x128xf32, #tpu.memory_space<vmem_shared>>
        tpu.enqueue_indirect_dma source(%arg9 : memref<128x128xf32, #tpu.memory_space<vmem>>) target(%dma_start3A_37 : memref<10112x128xf32, #tpu.memory_space<vmem_shared>>) offsets(%dma_start3A_34 : memref<128xi32, #tpu.memory_space<vmem>>) semaphore(%run_scoped3A : memref<!tpu.dma_semaphore, #tpu.memory_space<semaphore_mem>>) {add = true}
        %dma_wait3A_38 = arith.constant 0 : i32
        %dma_wait3A_39 = tpu.memref_slice %arg8[%while3A_21, %dma_wait3A_38] : memref<99x128xi32, #tpu.memory_space<vmem>> -> memref<1x128xi32, #tpu.memory_space<vmem>>
        %dma_wait3A_40 = tpu.memref_squeeze %dma_wait3A_39 : memref<1x128xi32, #tpu.memory_space<vmem>> -> memref<128xi32, #tpu.memory_space<vmem>>
        %dma_wait3A_41 = arith.constant 0 : i32
        %dma_wait3A_42 = arith.constant 0 : i32
        %dma_wait3A_43 = tpu.memref_slice %arg10[%dma_wait3A_41, %dma_wait3A_42] : memref<10112x128xf32, #tpu.memory_space<vmem_shared>> -> memref<10112x128xf32, #tpu.memory_space<vmem_shared>>
        tpu.wait_indirect_dma semaphore(%run_scoped3A : memref<!tpu.dma_semaphore, #tpu.memory_space<semaphore_mem>>) src(%arg9 : memref<128x128xf32, #tpu.memory_space<vmem>>) dst(%dma_wait3A_43 : memref<10112x128xf32, #tpu.memory_space<vmem_shared>>)
        tpu.yield
      }) : () -> ()
    }
    %barrier3A_16 = arith.constant 0 : index
    tpu.barrier barrier_id(%barrier3A_16)
    %mul3A_17 = arith.constant 632 : i32
    %mul3A_18 = arith.muli %arg1, %mul3A_17 : i32
    %mul3A_19 = arith.constant 632 : i32
    %mul3A_20 = arith.muli %arg1, %mul3A_19 : i32
    "tpu.region"() ({
      %run_scoped3A = tpu.sem_alloc : memref<!tpu.dma_semaphore, #tpu.memory_space<semaphore_mem>>
      %dma_start3A = arith.constant 0 : i32
      %dma_start3A_21 = tpu.memref_slice %arg6[%arg0, %mul3A_20, %dma_start3A] : memref<2x10112x128xf32, #tpu.memory_space<hbm>> -> memref<1x632x128xf32, #tpu.memory_space<hbm>>
      %dma_start3A_22 = tpu.memref_squeeze %dma_start3A_21 : memref<1x632x128xf32, #tpu.memory_space<hbm>> -> memref<632x128xf32, #tpu.memory_space<hbm>>
      %dma_start3A_23 = arith.constant 0 : i32
      %dma_start3A_24 = tpu.memref_slice %arg10[%mul3A_18, %dma_start3A_23] : memref<10112x128xf32, #tpu.memory_space<vmem_shared>> -> memref<632x128xf32, #tpu.memory_space<vmem_shared>>
      tpu.enqueue_dma source(%dma_start3A_24 : memref<632x128xf32, #tpu.memory_space<vmem_shared>>) target(%dma_start3A_22 : memref<632x128xf32, #tpu.memory_space<hbm>>) target_semaphore(%run_scoped3A : memref<!tpu.dma_semaphore, #tpu.memory_space<semaphore_mem>>)
      %dma_wait3A = arith.constant 0 : i32
      %dma_wait3A_25 = tpu.memref_slice %arg6[%arg0, %mul3A_20, %dma_wait3A] : memref<2x10112x128xf32, #tpu.memory_space<hbm>> -> memref<1x632x128xf32, #tpu.memory_space<hbm>>
      %dma_wait3A_26 = tpu.memref_squeeze %dma_wait3A_25 : memref<1x632x128xf32, #tpu.memory_space<hbm>> -> memref<632x128xf32, #tpu.memory_space<hbm>>
      %dma_wait3A_27 = arith.constant 0 : i32
      %dma_wait3A_28 = tpu.memref_slice %arg10[%mul3A_18, %dma_wait3A_27] : memref<10112x128xf32, #tpu.memory_space<vmem_shared>> -> memref<632x128xf32, #tpu.memory_space<vmem_shared>>
      tpu.wait_dma2 semaphore(%run_scoped3A : memref<!tpu.dma_semaphore, #tpu.memory_space<semaphore_mem>>) src(%dma_wait3A_28 : memref<632x128xf32, #tpu.memory_space<vmem_shared>>) dst(%dma_wait3A_26 : memref<632x128xf32, #tpu.memory_space<hbm>>)
      tpu.yield
    }) : () -> ()
    return
  }
}

module attributes {stable_mosaic.version = 14 : i64} {
  func.func @_mm2_body(%arg0: memref<10000x128xf32, #tpu.memory_space<vmem>>, %arg1: memref<128x128xf32, #tpu.memory_space<vmem>>, %arg2: memref<128x64xf32, #tpu.memory_space<vmem>>, %arg3: memref<10000x128xf32, #tpu.memory_space<vmem>>, %arg4: memref<10000x64xf32, #tpu.memory_space<vmem>>) attributes {dimension_semantics = [], scalar_prefetch = 0 : i64, scratch_operands = 0 : i64, tpu.core_type = #tpu.core_type<tc>} {
    %get3A = arith.constant 0 : index
    %get3A_0 = arith.constant 0 : index
    %get3A_1 = vector.load %arg0[%get3A, %get3A_0] : memref<10000x128xf32, #tpu.memory_space<vmem>>, vector<10000x128xf32>
    %get3A_2 = arith.constant 0 : index
    %get3A_3 = arith.constant 0 : index
    %get3A_4 = vector.load %arg1[%get3A_2, %get3A_3] : memref<128x128xf32, #tpu.memory_space<vmem>>, vector<128x128xf32>
    %dot_general3A = arith.constant dense<0.000000e+00> : vector<10000x128xf32>
    %dot_general3A_5 = tpu.matmul %get3A_1, %get3A_4, %dot_general3A {dimension_numbers = #tpu.dot_dimension_numbers<[1], [0], [0], [1], [0, 0, 1, 1], [], []>, transpose_lhs_hint = false} : vector<10000x128xf32>, vector<128x128xf32>, vector<10000x128xf32> -> vector<10000x128xf32>
    %swap3A = arith.constant 0 : index
    %swap3A_6 = arith.constant 0 : index
    %swap3A_7 = vector.load %arg3[%swap3A, %swap3A_6] : memref<10000x128xf32, #tpu.memory_space<vmem>>, vector<10000x128xf32>
    tpu.vector_store %arg3[%swap3A, %swap3A_6], %dot_general3A_5 {strides = array<i32>} : memref<10000x128xf32, #tpu.memory_space<vmem>>, vector<10000x128xf32>,
    %get3A_8 = arith.constant 0 : index
    %get3A_9 = arith.constant 0 : index
    %get3A_10 = vector.load %arg2[%get3A_8, %get3A_9] : memref<128x64xf32, #tpu.memory_space<vmem>>, vector<128x64xf32>
    %dot_general3A_11 = arith.constant dense<0.000000e+00> : vector<10000x64xf32>
    %dot_general3A_12 = tpu.matmul %get3A_1, %get3A_10, %dot_general3A_11 {dimension_numbers = #tpu.dot_dimension_numbers<[1], [0], [0], [1], [0, 0, 1, 1], [], []>, transpose_lhs_hint = false} : vector<10000x128xf32>, vector<128x64xf32>, vector<10000x64xf32> -> vector<10000x64xf32>
    %swap3A_13 = arith.constant 0 : index
    %swap3A_14 = arith.constant 0 : index
    %swap3A_15 = vector.load %arg4[%swap3A_13, %swap3A_14] : memref<10000x64xf32, #tpu.memory_space<vmem>>, vector<10000x64xf32>
    tpu.vector_store %arg4[%swap3A_13, %swap3A_14], %dot_general3A_12 {strides = array<i32>} : memref<10000x64xf32, #tpu.memory_space<vmem>>, vector<10000x64xf32>,
    return
  }
}

module attributes {stable_mosaic.version = 14 : i64} {
  func.func @_mid_body(%arg0: memref<10000x64xf32, #tpu.memory_space<vmem>>, %arg1: memref<2x10000x64xf32, #tpu.memory_space<vmem>>, %arg2: memref<1x64xf32, #tpu.memory_space<vmem>>, %arg3: memref<1x64xf32, #tpu.memory_space<vmem>>, %arg4: memref<1x64xf32, #tpu.memory_space<vmem>>, %arg5: memref<64x128xf32, #tpu.memory_space<vmem>>, %arg6: memref<64x64xf32, #tpu.memory_space<vmem>>, %arg7: memref<10000x128xf32, #tpu.memory_space<vmem>>, %arg8: memref<10000x64xf32, #tpu.memory_space<vmem>>) attributes {dimension_semantics = [], scalar_prefetch = 0 : i64, scratch_operands = 0 : i64, tpu.core_type = #tpu.core_type<tc>} {
    %get3A = arith.constant 0 : index
    %get3A_0 = arith.constant 0 : index
    %get3A_1 = vector.load %arg0[%get3A, %get3A_0] : memref<10000x64xf32, #tpu.memory_space<vmem>>, vector<10000x64xf32>
    %get3A_2 = arith.constant 0 : index
    %get3A_3 = arith.constant 0 : index
    %get3A_4 = arith.constant 0 : index
    %get3A_5 = vector.load %arg1[%get3A_2, %get3A_3, %get3A_4] : memref<2x10000x64xf32, #tpu.memory_space<vmem>>, vector<1x10000x64xf32>
    %get3A_6 = vector.shape_cast %get3A_5 : vector<1x10000x64xf32> to vector<10000x64xf32>
    %add3A = arith.addf %get3A_1, %get3A_6 : vector<10000x64xf32>
    %get3A_7 = arith.constant 1 : index
    %get3A_8 = arith.constant 0 : index
    %get3A_9 = arith.constant 0 : index
    %get3A_10 = vector.load %arg1[%get3A_7, %get3A_8, %get3A_9] : memref<2x10000x64xf32, #tpu.memory_space<vmem>>, vector<1x10000x64xf32>
    %get3A_11 = vector.shape_cast %get3A_10 : vector<1x10000x64xf32> to vector<10000x64xf32>
    %add3A_12 = arith.addf %add3A, %get3A_11 : vector<10000x64xf32>
    %get3A_13 = arith.constant 0 : index
    %get3A_14 = arith.constant 0 : index
    %get3A_15 = vector.load %arg2[%get3A_13, %get3A_14] : memref<1x64xf32, #tpu.memory_space<vmem>>, vector<1x64xf32>
    %add3A_16 = vector.broadcast %get3A_15 : vector<1x64xf32> to vector<10000x64xf32>
    %add3A_17 = arith.addf %add3A_12, %add3A_16 : vector<10000x64xf32>
    %reduce_sum3A = arith.constant dense<0.000000e+00> : vector<64xf32>
    %reduce_sum3A_18 = vector.multi_reduction <add>, %add3A_17, %reduce_sum3A [0] : vector<10000x64xf32> to vector<64xf32>
    %broadcast_in_dim3A = vector.shape_cast %reduce_sum3A_18 : vector<64xf32> to vector<1x64xf32>
    %div3A = arith.constant 1.000000e+04 : f32
    %div3A_19 = vector.broadcast %div3A : f32 to vector<1x64xf32>
    %div3A_20 = arith.divf %broadcast_in_dim3A, %div3A_19 : vector<1x64xf32>
    %sub3A = vector.broadcast %div3A_20 : vector<1x64xf32> to vector<10000x64xf32>
    %sub3A_21 = arith.subf %add3A_17, %sub3A : vector<10000x64xf32>
    %mul3A = arith.mulf %sub3A_21, %sub3A_21 : vector<10000x64xf32>
    %reduce_sum3A_22 = arith.constant dense<0.000000e+00> : vector<64xf32>
    %reduce_sum3A_23 = vector.multi_reduction <add>, %mul3A, %reduce_sum3A_22 [0] : vector<10000x64xf32> to vector<64xf32>
    %broadcast_in_dim3A_24 = vector.shape_cast %reduce_sum3A_23 : vector<64xf32> to vector<1x64xf32>
    %div3A_25 = arith.constant 1.000000e+04 : f32
    %div3A_26 = vector.broadcast %div3A_25 : f32 to vector<1x64xf32>
    %div3A_27 = arith.divf %broadcast_in_dim3A_24, %div3A_26 : vector<1x64xf32>
    %get3A_28 = arith.constant 0 : index
    %get3A_29 = arith.constant 0 : index
    %get3A_30 = vector.load %arg3[%get3A_28, %get3A_29] : memref<1x64xf32, #tpu.memory_space<vmem>>, vector<1x64xf32>
    %mul3A_31 = vector.broadcast %get3A_30 : vector<1x64xf32> to vector<10000x64xf32>
    %mul3A_32 = arith.mulf %mul3A_31, %sub3A_21 : vector<10000x64xf32>
    %add3A_33 = arith.constant 9.99999974E-6 : f32
    %add3A_34 = vector.broadcast %add3A_33 : f32 to vector<1x64xf32>
    %add3A_35 = arith.addf %div3A_27, %add3A_34 : vector<1x64xf32>
    %rsqrt3A = math.rsqrt %add3A_35 : vector<1x64xf32>
    %mul3A_36 = vector.broadcast %rsqrt3A : vector<1x64xf32> to vector<10000x64xf32>
    %mul3A_37 = arith.mulf %mul3A_32, %mul3A_36 : vector<10000x64xf32>
    %get3A_38 = arith.constant 0 : index
    %get3A_39 = arith.constant 0 : index
    %get3A_40 = vector.load %arg4[%get3A_38, %get3A_39] : memref<1x64xf32, #tpu.memory_space<vmem>>, vector<1x64xf32>
    %add3A_41 = vector.broadcast %get3A_40 : vector<1x64xf32> to vector<10000x64xf32>
    %add3A_42 = arith.addf %mul3A_37, %add3A_41 : vector<10000x64xf32>
    %ge3A = arith.constant 0.000000e+00 : f32
    %ge3A_43 = vector.broadcast %ge3A : f32 to vector<10000x64xf32>
    %ge3A_44 = arith.cmpf oge, %add3A_42, %ge3A_43 : vector<10000x64xf32>
    %mul3A_45 = arith.constant 0.00999999977 : f32
    %mul3A_46 = vector.broadcast %mul3A_45 : f32 to vector<10000x64xf32>
    %mul3A_47 = arith.mulf %mul3A_46, %add3A_42 : vector<10000x64xf32>
    %select_n3A = arith.select %ge3A_44, %add3A_42, %mul3A_47 : vector<10000x64xi1>, vector<10000x64xf32>
    %get3A_48 = arith.constant 0 : index
    %get3A_49 = arith.constant 0 : index
    %get3A_50 = vector.load %arg5[%get3A_48, %get3A_49] : memref<64x128xf32, #tpu.memory_space<vmem>>, vector<64x128xf32>
    %dot_general3A = arith.constant dense<0.000000e+00> : vector<10000x128xf32>
    %dot_general3A_51 = tpu.matmul %select_n3A, %get3A_50, %dot_general3A {dimension_numbers = #tpu.dot_dimension_numbers<[1], [0], [0], [1], [0, 0, 1, 1], [], []>, transpose_lhs_hint = false} : vector<10000x64xf32>, vector<64x128xf32>, vector<10000x128xf32> -> vector<10000x128xf32>
    %swap3A = arith.constant 0 : index
    %swap3A_52 = arith.constant 0 : index
    %swap3A_53 = vector.load %arg7[%swap3A, %swap3A_52] : memref<10000x128xf32, #tpu.memory_space<vmem>>, vector<10000x128xf32>
    tpu.vector_store %arg7[%swap3A, %swap3A_52], %dot_general3A_51 {strides = array<i32>} : memref<10000x128xf32, #tpu.memory_space<vmem>>, vector<10000x128xf32>,
    %get3A_54 = arith.constant 0 : index
    %get3A_55 = arith.constant 0 : index
    %get3A_56 = vector.load %arg6[%get3A_54, %get3A_55] : memref<64x64xf32, #tpu.memory_space<vmem>>, vector<64x64xf32>
    %dot_general3A_57 = arith.constant dense<0.000000e+00> : vector<10000x64xf32>
    %dot_general3A_58 = tpu.matmul %select_n3A, %get3A_56, %dot_general3A_57 {dimension_numbers = #tpu.dot_dimension_numbers<[1], [0], [0], [1], [0, 0, 1, 1], [], []>, transpose_lhs_hint = false} : vector<10000x64xf32>, vector<64x64xf32>, vector<10000x64xf32> -> vector<10000x64xf32>
    %swap3A_59 = arith.constant 0 : index
    %swap3A_60 = arith.constant 0 : index
    %swap3A_61 = vector.load %arg8[%swap3A_59, %swap3A_60] : memref<10000x64xf32, #tpu.memory_space<vmem>>, vector<10000x64xf32>
    tpu.vector_store %arg8[%swap3A_59, %swap3A_60], %dot_general3A_58 {strides = array<i32>} : memref<10000x64xf32, #tpu.memory_space<vmem>>, vector<10000x64xf32>,
    return
  }
}

module attributes {stable_mosaic.version = 14 : i64} {
  func.func @_final_body(%arg0: memref<10000x64xf32, #tpu.memory_space<vmem>>, %arg1: memref<2x10000x64xf32, #tpu.memory_space<vmem>>, %arg2: memref<1x64xf32, #tpu.memory_space<vmem>>, %arg3: memref<1x64xf32, #tpu.memory_space<vmem>>, %arg4: memref<1x64xf32, #tpu.memory_space<vmem>>, %arg5: memref<1x10000xi32, #tpu.memory_space<vmem>>, %arg6: memref<64x64xf32, #tpu.memory_space<vmem>>, %arg7: memref<1x64xf32, #tpu.memory_space<vmem>>, %arg8: memref<64x64xf32, #tpu.memory_space<vmem>>, %arg9: memref<1x64xf32, #tpu.memory_space<vmem>>, %arg10: memref<64x1xf32, #tpu.memory_space<vmem>>, %arg11: memref<1x1xf32, #tpu.memory_space<vmem>>, %arg12: memref<128x1xf32, #tpu.memory_space<vmem>>) attributes {dimension_semantics = [], scalar_prefetch = 0 : i64, scratch_operands = 0 : i64, tpu.core_type = #tpu.core_type<tc>} {
    %get3A = arith.constant 0 : index
    %get3A_0 = arith.constant 0 : index
    %get3A_1 = vector.load %arg0[%get3A, %get3A_0] : memref<10000x64xf32, #tpu.memory_space<vmem>>, vector<10000x64xf32>
    %get3A_2 = arith.constant 0 : index
    %get3A_3 = arith.constant 0 : index
    %get3A_4 = arith.constant 0 : index
    %get3A_5 = vector.load %arg1[%get3A_2, %get3A_3, %get3A_4] : memref<2x10000x64xf32, #tpu.memory_space<vmem>>, vector<1x10000x64xf32>
    %get3A_6 = vector.shape_cast %get3A_5 : vector<1x10000x64xf32> to vector<10000x64xf32>
    %add3A = arith.addf %get3A_1, %get3A_6 : vector<10000x64xf32>
    %get3A_7 = arith.constant 1 : index
    %get3A_8 = arith.constant 0 : index
    %get3A_9 = arith.constant 0 : index
    %get3A_10 = vector.load %arg1[%get3A_7, %get3A_8, %get3A_9] : memref<2x10000x64xf32, #tpu.memory_space<vmem>>, vector<1x10000x64xf32>
    %get3A_11 = vector.shape_cast %get3A_10 : vector<1x10000x64xf32> to vector<10000x64xf32>
    %add3A_12 = arith.addf %add3A, %get3A_11 : vector<10000x64xf32>
    %get3A_13 = arith.constant 0 : index
    %get3A_14 = arith.constant 0 : index
    %get3A_15 = vector.load %arg2[%get3A_13, %get3A_14] : memref<1x64xf32, #tpu.memory_space<vmem>>, vector<1x64xf32>
    %add3A_16 = vector.broadcast %get3A_15 : vector<1x64xf32> to vector<10000x64xf32>
    %add3A_17 = arith.addf %add3A_12, %add3A_16 : vector<10000x64xf32>
    %reduce_sum3A = arith.constant dense<0.000000e+00> : vector<64xf32>
    %reduce_sum3A_18 = vector.multi_reduction <add>, %add3A_17, %reduce_sum3A [0] : vector<10000x64xf32> to vector<64xf32>
    %broadcast_in_dim3A = vector.shape_cast %reduce_sum3A_18 : vector<64xf32> to vector<1x64xf32>
    %div3A = arith.constant 1.000000e+04 : f32
    %div3A_19 = vector.broadcast %div3A : f32 to vector<1x64xf32>
    %div3A_20 = arith.divf %broadcast_in_dim3A, %div3A_19 : vector<1x64xf32>
    %sub3A = vector.broadcast %div3A_20 : vector<1x64xf32> to vector<10000x64xf32>
    %sub3A_21 = arith.subf %add3A_17, %sub3A : vector<10000x64xf32>
    %mul3A = arith.mulf %sub3A_21, %sub3A_21 : vector<10000x64xf32>
    %reduce_sum3A_22 = arith.constant dense<0.000000e+00> : vector<64xf32>
    %reduce_sum3A_23 = vector.multi_reduction <add>, %mul3A, %reduce_sum3A_22 [0] : vector<10000x64xf32> to vector<64xf32>
    %broadcast_in_dim3A_24 = vector.shape_cast %reduce_sum3A_23 : vector<64xf32> to vector<1x64xf32>
    %div3A_25 = arith.constant 1.000000e+04 : f32
    %div3A_26 = vector.broadcast %div3A_25 : f32 to vector<1x64xf32>
    %div3A_27 = arith.divf %broadcast_in_dim3A_24, %div3A_26 : vector<1x64xf32>
    %get3A_28 = arith.constant 0 : index
    %get3A_29 = arith.constant 0 : index
    %get3A_30 = vector.load %arg3[%get3A_28, %get3A_29] : memref<1x64xf32, #tpu.memory_space<vmem>>, vector<1x64xf32>
    %mul3A_31 = vector.broadcast %get3A_30 : vector<1x64xf32> to vector<10000x64xf32>
    %mul3A_32 = arith.mulf %mul3A_31, %sub3A_21 : vector<10000x64xf32>
    %add3A_33 = arith.constant 9.99999974E-6 : f32
    %add3A_34 = vector.broadcast %add3A_33 : f32 to vector<1x64xf32>
    %add3A_35 = arith.addf %div3A_27, %add3A_34 : vector<1x64xf32>
    %rsqrt3A = math.rsqrt %add3A_35 : vector<1x64xf32>
    %mul3A_36 = vector.broadcast %rsqrt3A : vector<1x64xf32> to vector<10000x64xf32>
    %mul3A_37 = arith.mulf %mul3A_32, %mul3A_36 : vector<10000x64xf32>
    %get3A_38 = arith.constant 0 : index
    %get3A_39 = arith.constant 0 : index
    %get3A_40 = vector.load %arg4[%get3A_38, %get3A_39] : memref<1x64xf32, #tpu.memory_space<vmem>>, vector<1x64xf32>
    %add3A_41 = vector.broadcast %get3A_40 : vector<1x64xf32> to vector<10000x64xf32>
    %add3A_42 = arith.addf %mul3A_37, %add3A_41 : vector<10000x64xf32>
    %ge3A = arith.constant 0.000000e+00 : f32
    %ge3A_43 = vector.broadcast %ge3A : f32 to vector<10000x64xf32>
    %ge3A_44 = arith.cmpf oge, %add3A_42, %ge3A_43 : vector<10000x64xf32>
    %mul3A_45 = arith.constant 0.00999999977 : f32
    %mul3A_46 = vector.broadcast %mul3A_45 : f32 to vector<10000x64xf32>
    %mul3A_47 = arith.mulf %mul3A_46, %add3A_42 : vector<10000x64xf32>
    %select_n3A = arith.select %ge3A_44, %add3A_42, %mul3A_47 : vector<10000x64xi1>, vector<10000x64xf32>
    %iota3A = tpu.iota {dimensions = array<i32: 0>} : vector<128x1xi32>
    %get3A_48 = arith.constant 0 : index
    %get3A_49 = arith.constant 0 : index
    %get3A_50 = vector.load %arg5[%get3A_48, %get3A_49] : memref<1x10000xi32, #tpu.memory_space<vmem>>, vector<1x10000xi32>
    %eq3A = vector.broadcast %get3A_50 : vector<1x10000xi32> to vector<128x10000xi32>
    %eq3A_51 = vector.broadcast %iota3A : vector<128x1xi32> to vector<128x10000xi32>
    %eq3A_52 = arith.cmpi eq, %eq3A, %eq3A_51 : vector<128x10000xi32>
    %convert_element_type3A = arith.extui %eq3A_52 : vector<128x10000xi1> to vector<128x10000xi32>
    %convert_element_type3A_53 = arith.sitofp %convert_element_type3A : vector<128x10000xi32> to vector<128x10000xf32>
    %dot_general3A = arith.constant dense<0.000000e+00> : vector<128x64xf32>
    %dot_general3A_54 = tpu.matmul %convert_element_type3A_53, %select_n3A, %dot_general3A {dimension_numbers = #tpu.dot_dimension_numbers<[1], [0], [0], [1], [0, 0, 1, 1], [], []>, transpose_lhs_hint = false} : vector<128x10000xf32>, vector<10000x64xf32>, vector<128x64xf32> -> vector<128x64xf32>
    %reduce_sum3A_55 = arith.constant dense<0.000000e+00> : vector<128xf32>
    %reduce_sum3A_56 = vector.multi_reduction <add>, %convert_element_type3A_53, %reduce_sum3A_55 [1] : vector<128x10000xf32> to vector<128xf32>
    %broadcast_in_dim3A_57 = vector.shape_cast %reduce_sum3A_56 : vector<128xf32> to vector<128x1xf32>
    %max3A = arith.constant 1.000000e+00 : f32
    %max3A_58 = vector.broadcast %max3A : f32 to vector<128x1xf32>
    %max3A_59 = arith.maximumf %broadcast_in_dim3A_57, %max3A_58 : vector<128x1xf32>
    %div3A_60 = vector.broadcast %max3A_59 : vector<128x1xf32> to vector<128x64xf32>
    %div3A_61 = arith.divf %dot_general3A_54, %div3A_60 : vector<128x64xf32>
    %get3A_62 = arith.constant 0 : index
    %get3A_63 = arith.constant 0 : index
    %get3A_64 = vector.load %arg6[%get3A_62, %get3A_63] : memref<64x64xf32, #tpu.memory_space<vmem>>, vector<64x64xf32>
    %dot_general3A_65 = arith.constant dense<0.000000e+00> : vector<128x64xf32>
    %dot_general3A_66 = tpu.matmul %div3A_61, %get3A_64, %dot_general3A_65 {dimension_numbers = #tpu.dot_dimension_numbers<[1], [0], [0], [1], [0, 0, 1, 1], [], []>, transpose_lhs_hint = false} : vector<128x64xf32>, vector<64x64xf32>, vector<128x64xf32> -> vector<128x64xf32>
    %get3A_67 = arith.constant 0 : index
    %get3A_68 = arith.constant 0 : index
    %get3A_69 = vector.load %arg7[%get3A_67, %get3A_68] : memref<1x64xf32, #tpu.memory_space<vmem>>, vector<1x64xf32>
    %add3A_70 = vector.broadcast %get3A_69 : vector<1x64xf32> to vector<128x64xf32>
    %add3A_71 = arith.addf %dot_general3A_66, %add3A_70 : vector<128x64xf32>
    %ge3A_72 = arith.constant 0.000000e+00 : f32
    %ge3A_73 = vector.broadcast %ge3A_72 : f32 to vector<128x64xf32>
    %ge3A_74 = arith.cmpf oge, %add3A_71, %ge3A_73 : vector<128x64xf32>
    %mul3A_75 = arith.constant 0.00999999977 : f32
    %mul3A_76 = vector.broadcast %mul3A_75 : f32 to vector<128x64xf32>
    %mul3A_77 = arith.mulf %mul3A_76, %add3A_71 : vector<128x64xf32>
    %select_n3A_78 = arith.select %ge3A_74, %add3A_71, %mul3A_77 : vector<128x64xi1>, vector<128x64xf32>
    %get3A_79 = arith.constant 0 : index
    %get3A_80 = arith.constant 0 : index
    %get3A_81 = vector.load %arg8[%get3A_79, %get3A_80] : memref<64x64xf32, #tpu.memory_space<vmem>>, vector<64x64xf32>
    %dot_general3A_82 = arith.constant dense<0.000000e+00> : vector<128x64xf32>
    %dot_general3A_83 = tpu.matmul %select_n3A_78, %get3A_81, %dot_general3A_82 {dimension_numbers = #tpu.dot_dimension_numbers<[1], [0], [0], [1], [0, 0, 1, 1], [], []>, transpose_lhs_hint = false} : vector<128x64xf32>, vector<64x64xf32>, vector<128x64xf32> -> vector<128x64xf32>
    %get3A_84 = arith.constant 0 : index
    %get3A_85 = arith.constant 0 : index
    %get3A_86 = vector.load %arg9[%get3A_84, %get3A_85] : memref<1x64xf32, #tpu.memory_space<vmem>>, vector<1x64xf32>
    %add3A_87 = vector.broadcast %get3A_86 : vector<1x64xf32> to vector<128x64xf32>
    %add3A_88 = arith.addf %dot_general3A_83, %add3A_87 : vector<128x64xf32>
    %ge3A_89 = arith.constant 0.000000e+00 : f32
    %ge3A_90 = vector.broadcast %ge3A_89 : f32 to vector<128x64xf32>
    %ge3A_91 = arith.cmpf oge, %add3A_88, %ge3A_90 : vector<128x64xf32>
    %mul3A_92 = arith.constant 0.00999999977 : f32
    %mul3A_93 = vector.broadcast %mul3A_92 : f32 to vector<128x64xf32>
    %mul3A_94 = arith.mulf %mul3A_93, %add3A_88 : vector<128x64xf32>
    %select_n3A_95 = arith.select %ge3A_91, %add3A_88, %mul3A_94 : vector<128x64xi1>, vector<128x64xf32>
    %get3A_96 = arith.constant 0 : index
    %get3A_97 = arith.constant 0 : index
    %get3A_98 = vector.load %arg10[%get3A_96, %get3A_97] : memref<64x1xf32, #tpu.memory_space<vmem>>, vector<64x1xf32>
    %dot_general3A_99 = arith.constant dense<0.000000e+00> : vector<128x1xf32>
    %dot_general3A_100 = tpu.matmul %select_n3A_95, %get3A_98, %dot_general3A_99 {dimension_numbers = #tpu.dot_dimension_numbers<[1], [0], [0], [1], [0, 0, 1, 1], [], []>, transpose_lhs_hint = false} : vector<128x64xf32>, vector<64x1xf32>, vector<128x1xf32> -> vector<128x1xf32>
    %get3A_101 = arith.constant 0 : index
    %get3A_102 = arith.constant 0 : index
    %get3A_103 = vector.load %arg11[%get3A_101, %get3A_102] : memref<1x1xf32, #tpu.memory_space<vmem>>, vector<1x1xf32>
    %add3A_104 = vector.broadcast %get3A_103 : vector<1x1xf32> to vector<128x1xf32>
    %add3A_105 = arith.addf %dot_general3A_100, %add3A_104 : vector<128x1xf32>
    %swap3A = arith.constant 0 : index
    %swap3A_106 = arith.constant 0 : index
    %swap3A_107 = vector.load %arg12[%swap3A, %swap3A_106] : memref<128x1xf32, #tpu.memory_space<vmem>>, vector<128x1xf32>
    tpu.vector_store %arg12[%swap3A, %swap3A_106], %add3A_105 {strides = array<i32>} : memref<128x1xf32, #tpu.memory_space<vmem>>, vector<128x1xf32>,
    return
  }
}

</mosaic_0001>

<sc_bundles>
// kernel: kernel.10.cloned.1.call-start
scs
__scs_entry_jumppad:
0x0: {  	(pc) =	sbr.rel $0x88, $3  }
0x1: {  	(tag) =	ssettag $0x0;
	lr =	simm.s32 $0x1  }
0x2: {  	[smem:$0x3F8E] =	sst lr;
	_ =	strace $0xD0000000  }
0x3: {  	_ = 	snop  }
0x4: {  	_ = 	snop  }
0x5: {  	_ = 	snop  }
0x6: {  	_ = 	snop  }
0x7: {  	_ = 	snop  }
__scs_overlays_trampoline_lowered:
0x8: {  	[smem:$0x3F9D] =	sst s0  }
0x9: {  	[smem:$0x3F9E] =	sst s1  }
0xa: {  	[smem:$0x3F9F] =	sst s2  }
0xb: {  	[smem:$0x3FA0] =	sst s3  }
0xc: {  	[smem:$0x3FA1] =	sst s4  }
0xd: {  	[smem:$0x3FA2] =	sst s5  }
0xe: {  	[smem:$0x3FA3] =	sst s6  }
0xf: {  	[smem:$0x3FA4] =	sst s7  }
0x10: {  	[smem:$0x3FA5] =	sst s8  }
0x11: {  	[smem:$0x3FA6] =	sst s9;
	s0 =	simm.s32 @!p0 $0x0  }
0x12: {  	s1 =	sld [smem:$0x3F8C];
	s0 =	simm.s32 @p0 $0x1  }
0x13: {  	[smem:$0x3FA7] =	sst s0;
	s0 =	simm.s32 @!p1 $0x0  }
0x14: {  	s2 =	sld [smem:$0x3F8B];
	s0 =	simm.s32 @p1 $0x1  }
0x15: {  	[smem:$0x3FA8] =	sst s0;
	s0 =	simm.s32 @!p2 $0x0  }
0x16: {  	s3 =	sld [smem:$0x3FDB];
	s0 =	simm.s32 @p2 $0x1  }
0x17: {  	s4 =	simm.s32 $0x1BF5;
	[smem:$0x3FAA] =	sst s0  }
0x18: {  	s0 =	sld [smem:$0x3F8D];
	_ =	swait.ge [sflag:s4], $0x0  }
0x19: {  	s7 =	sld [smem:$0x3F8E]  }
0x1a: {  	s8 =	sadd.s32 $0xFFFFE003, lr  }
0x1b: {  	s9 =	sadd.s32 $0xFFFFFEF7, lr;
	s5 =	simm.s32 $0xFFFFFFFF;
	p2 =	slt.u32 s8, $0xFFFFF086  }
0x1c: {  	p1 =	slt.u32 s9, $0xF7A;
	s5 =	simm.s32 @!p2 $0x0  }
0x1d: {  	s5 =	simm.s32 @p1 $0x1;
	p0 =	seq.s32 s7, s2  }
0x1e: {  	s7 =	smul.u32 @!p0 $0xF7A, s2;
	p2 =	seq.s32 @!p0 s5, $0x0  }
0x1f: {  	s9 =	smul.u32 $0xF7A, s1;
	s8 =	simm.s32 @!p0 $0x1BF5;
	p2 =	por !p2, p0  }
0x20: {  	[sflag:s8] =	ssyncset.s32 @!p0 $0xFFFFF086;
	s6 =	sadd.s32 @!p0 s3, s7;
	s7 =	simm.s32 @!p0 $0x108  }
0x21: {  	s3 =	sadd.s32 s3, s9;
	s6 =	sadd.s32 @!p0 $0x88, s6;
	s7 =	simm.s32 @p2 $0x1082  }
0x22: {  	[simem:s7], [sflag:s8] =	dma.local @!p0 [hbm:s6], $0xF7A  }
0x23: {  	s9 =	sor.u32 $0xD0000000, s2;
	s6 =	simm.s32 $0x108;
	_ =	swait.ge @!p0 [sflag:s8], $0x0  }
0x24: {  	s3 =	sadd.s32 $0x88, s3;
	s6 =	simm.s32 @!p1 $0x1082;
	[sflag:s4] =	ssyncset.s32 $0xFFFFF086  }
0x25: {  	[simem:s6], [sflag:s4] =	dma.local [hbm:s3], $0xF7A  }
0x26: {  	[smem:$0x3F8E] =	sst s1;
	(tag) =	ssettag s2;
	_ =	strace s9  }
0x27: {  	s1 =	sld [smem:$0x3F9E]  }
0x28: {  	s2 =	sld [smem:$0x3F9F]  }
0x29: {  	s4 =	sld [smem:$0x3FA1]  }
0x2a: {  	p0 =	seq.s32 s5, $0x0;
	s5 =	sld [smem:$0x3FA2]  }
0x2b: {  	s6 =	sld [smem:$0x3FA3]  }
0x2c: {  	s7 =	sld [smem:$0x3FA4]  }
0x2d: {  	s3 =	simm.s32 $0x108;
	s8 =	sld [smem:$0x3FA5]  }
0x2e: {  	s3 =	simm.s32 @!p0 $0x1082;
	s9 =	sld [smem:$0x3FA6]  }
0x2f: {  	lr =	sadd.s32 s0, s3;
	s0 =	sld [smem:$0x3F9D]  }
0x30: {  	s3 =	sld [smem:$0x3FA0]  }
0x31: {  	[smem:$0x3FA9] =	sst s10  }
0x32: {  	s10 =	sld [smem:$0x3FA7];
	_ =	sdelay $0x3  }
0x33: {  	p0 =	seq.s32 s10, $0x1;
	s10 =	sld [smem:$0x3FA9];
	_ =	sdelay $0x3  }
0x34: {  	[smem:$0x3FA9] =	sst s10  }
0x35: {  	s10 =	sld [smem:$0x3FA8];
	_ =	sdelay $0x3  }
0x36: {  	p1 =	seq.s32 s10, $0x1;
	s10 =	sld [smem:$0x3FA9];
	_ =	sdelay $0x3  }
0x37: {  	[smem:$0x3FA9] =	sst s10  }
0x38: {  	s10 =	sld [smem:$0x3FAA]  }
0x39: {  	_ = 	snop;
	(pc) =	sbr.ind lr, $3  }
0x3a: {  	_ = 	snop  }
0x3b: {  	_ = 	snop  }
0x3c: {  	p2 =	seq.s32 s10, $0x1;
	s10 =	sld [smem:$0x3FA9]  }
0x3d: {  	_ =	shalt  }
0x3e: {  	_ =	shalt  }
0x3f: {  	_ =	shalt  }
0x40: {  	_ =	shalt  }
0x41: {  	_ =	shalt  }
0x42: {  	_ =	shalt  }
0x43: {  	_ =	shalt  }
0x44: {  	_ =	shalt  }
0x45: {  	_ =	shalt  }
0x46: {  	_ =	shalt  }
0x47: {  	_ =	shalt  }
0x48: {  	_ =	shalt  }
0x49: {  	_ =	shalt  }
0x4a: {  	_ =	shalt  }
0x4b: {  	_ =	shalt  }
0x4c: {  	_ =	shalt  }
0x4d: {  	_ =	shalt  }
0x4e: {  	_ =	shalt  }
0x4f: {  	_ =	shalt  }
0x50: {  	_ =	shalt  }
0x51: {  	_ =	shalt  }
0x52: {  	_ =	shalt  }
0x53: {  	_ =	shalt  }
0x54: {  	_ =	shalt  }
0x55: {  	_ =	shalt  }
0x56: {  	_ =	shalt  }
0x57: {  	_ =	shalt  }
0x58: {  	_ =	shalt  }
0x59: {  	_ =	shalt  }
0x5a: {  	_ =	shalt  }
0x5b: {  	_ =	shalt  }
0x5c: {  	_ =	shalt  }
0x5d: {  	_ =	shalt  }
0x5e: {  	_ =	shalt  }
0x5f: {  	_ =	shalt  }
0x60: {  	_ =	shalt  }
0x61: {  	_ =	shalt  }
0x62: {  	_ =	shalt  }
0x63: {  	_ =	shalt  }
0x64: {  	_ =	shalt  }
0x65: {  	_ =	shalt  }
0x66: {  	_ =	shalt  }
0x67: {  	_ =	shalt  }
0x68: {  	_ =	shalt  }
0x69: {  	_ =	shalt  }
0x6a: {  	_ =	shalt  }
0x6b: {  	_ =	shalt  }
0x6c: {  	_ =	shalt  }
0x6d: {  	_ =	shalt  }
0x6e: {  	_ =	shalt  }
0x6f: {  	_ =	shalt  }
0x70: {  	_ =	shalt  }
0x71: {  	_ =	shalt  }
0x72: {  	_ =	shalt  }
0x73: {  	_ =	shalt  }
0x74: {  	_ =	shalt  }
0x75: {  	_ =	shalt  }
0x76: {  	_ =	shalt  }
0x77: {  	_ =	shalt  }
0x78: {  	_ =	shalt  }
0x79: {  	_ =	shalt  }
0x7a: {  	_ =	shalt  }
0x7b: {  	_ =	shalt  }
0x7c: {  	_ =	shalt  }
0x7d: {  	_ =	shalt  }
0x7e: {  	_ =	shalt  }
0x7f: {  	_ =	shalt  }
0x80: {  	_ =	shalt  }
0x81: {  	_ =	shalt  }
0x82: {  	_ =	shalt  }
0x83: {  	_ =	shalt  }
0x84: {  	_ =	shalt  }
0x85: {  	_ =	shalt  }
0x86: {  	_ =	shalt  }
0x87: {  	_ =	shalt  }
.Lfunc_end0:
.L_simem_size_0:
called_computation.1_lowered:
.L_overlay_start_0:
0x88: {  	s2 =	sld [smem:$0x3FD9]  }
0x89: {  	s3 =	sld [smem:$0x3FFE];
	_ =	sdelay $0x1  }
0x8a: {  	s1 =	srdreg.scid  }
0x8b: {  	s0 =	sand.u32 $0x1, s1  }
0x8c: {  	s16 =	sshll.u32 s0, $0xA;
	s2 =	sadd.s32 s3, s2  }
0x8d: {  	s2 =	sadd.s32 s2, s16  }
0x8e: {  	[smem:$0x3FB5] =	sst s2  }
0x8f: {  	_ = 	snop  }
0x90: {  	(tm) =	ssettm $0x1  }
0x91: {  	s17 =	sld [smem:$0x3FFB];
	_ =	sdelay $0x3  }
0x92: {  	_ =	strace s17  }
0x93: {  	s2 =	sld [smem:$0x3FFC];
	_ =	sdelay $0x3  }
0x94: {  	_ =	strace s2  }
0x95: {  	s2 =	sld [smem:$0x3FFD];
	_ =	sdelay $0x3  }
0x96: {  	_ =	strace s2  }
0x97: {  	_ =	strace $0x8FFFFFFF  }
0x98: {  	s18 =	sld [smem:$0x3FDB];
	_ =	sdelay $0x1  }
0x99: {  	s19 =	simm.s32 $_scs_section_size  }
0x9a: {  	s4 =	simm.s32 $_size__tile_overlayer_lowered;
	s5 =	simm.s32 $_tile_overlayer_lowered  }
0x9b: {  	s22 =	simm.s32 $0x1BFF;
	s21 =	sshll.u32 s5, $0x1;
	s2 =	sadd.s32 s19, s18  }
0x9c: {  	s6 =	simm.s32 $0x0;
	s20 =	sshll.u32 s4, $0x1;
	s4 =	sadd.s32 s21, s2  }
0x9d: {  	[timem:s6], [sflag:s22] =	dma.local [hbm:s4], s20  }
0x9e: {  	_ =	swait.ge [sflag:s22], s20  }
0x9f: {  	s3 =	ssub.s32 $0x0, s20;
	[sflag:s22] =	ssyncset.done $0x0  }
0xa0: {  	[sflag:s22] =	ssyncadd.s32 s3;
	_ =	sdelay $0x1  }
0xa1: {  	s23 =	simm.s32 $0x1B8B  }
0xa2: {  	_ =	swait.ge [sflag:s23], $0x1  }
0xa3: {  	[sflag:s23] =	ssyncset.done $0x0  }
0xa4: {  	s25 =	simm.s32 $0x1B8E;
	s24 =	sld [smem:$0x3FFE];
	[sflag:s23] =	ssyncadd.s32 $0xFFFFFFFF  }
0xa5: {  	s26 =	simm.s32 $execute0_lowered;
	[smem:$0x3FD2] =	sst s25  }
0xa6: {  	s4 =	sshll.u32 s26, $0x1;
	_ =	strace $0x80000049;
	[dreg:$0x1] =	wrdreg $0xFFFFFFFF  }
0xa7: {  	s28 =	simm.s32 $_size_execute0_lowered;
	s2 =	sadd.s32 s2, s4;
	[dreg:$0x0] =	wrdreg $0x0  }
0xa8: {  	s4 =	sshll.u32 s28, $0x1;
	[dreg:$0x2] =	wrdreg s2  }
0xa9: {  	[dreg:$0x3] =	wrdreg s4  }
0xaa: {  	[dreg:$0x4] =	wrdreg $0xC0  }
0xab: {  	_ =	task [dreg:s6], $0x5FFFF  }
0xac: {  	[dreg:$0x1] =	wrdreg $0xFFFFFFFF  }
0xad: {  	[dreg:$0x0] =	wrdreg $0x60  }
0xae: {  	[dreg:$0x2] =	wrdreg s24  }
0xaf: {  	[dreg:$0x3] =	wrdreg $0xA8000  }
0xb0: {  	[dreg:$0x4] =	wrdreg $0x9  }
0xb1: {  	_ =	task.clear_ibuf [dreg:s6], $0x5FFFF;
	_ =	strace $0x90000049  }
0xb2: {  	s29 =	simm.s32 $0x9;
	_ =	strace $0x8000004B  }
0xb3: {  	_ =	swait.ge [sflag:s29], $0x1  }
0xb4: {  	[sflag:s29] =	ssyncadd.s32 $0xFFFFFFFF  }
0xb5: {  	_ =	strace $0x9000004B  }
0xb6: {  	_ =	sfence  }
0xb7: {  	s30 =	sld [smem:$0x0];
	_ =	sdelay $0x2  }
0xb8: {  	s31 =	sshll.u32 s1, $0xD;
	s1 =	sshrl.u32 s1, $0x2  }
0xb9: {  	s3 =	sand.u32 $0x4000, s31;
	s1 =	sadd.s32 s1, s30  }
0xba: {  	s0 =	sor.u32 s3, s0;
	s1 =	sshll.u32 s1, $0x11  }
0xbb: {  	s0 =	sor.u32 s1, s0  }
0xbc: {  	s0 =	sadd.s32 $0x8F2B, s0  }
0xbd: {  	[sflag:s0] =	ssyncadd.remote.s32 $0x1  }
0xbe: {  	_ =	sfence.sel $0xFFFF  }
0xbf: {  	[dreg:$0x0] =	wrdreg $0xFFFFFFFF;
	(pc) =	sbr.abs _section_cstart, $3  }
0xc0: {  	[dreg:$0x1] =	wrdreg $0xFFFFFFFF  }
0xc1: {  	_ =	task.clear_ibuf [dreg:s6], $0x2FFFF;
	_ =	strace $0x9FFFFFFF  }
0xc2: {  	(tm) =	ssettm $0x7FFFFFFF  }
0xc3: {  	_ =	shalt  }
tec
execute0_lowered:
.L_overlay_start_1:
0x0: {  	(tag) =	ssettag $0x1  }
0x1: {  	s5 =	rddreg [dreg:$0x0]  }
0x2: {  	s0 =	srdreg.scid;
	s2 =	rddreg [dreg:$0x1];
	s3 =	simm.s32 $0x0  }
0x3: {  	s14 =	simm.s32 $0x80;
	s9 =	sand.u32 $0x1, s0;
	s0 =	stileid.u32  }
0x4: {  	s15 =	simm.s32 $0x6800;
	s16 =	simm.s32 $0x1;
	s7 =	smul.u32 $0x13C00, s0  }
0x5: {  	s17 =	simm.s32 $0x0;
	[smem:$0x7FF] =	sst s3;
	s8 =	smul.u32 $0x13C000, s9  }
0x6: {  	s4 =	sadd.s32 $0x1CA00, s5;
	s1 =	sshll.u32 s9, $0x4;
	s28 =	smul.u32 $0x4F000, s0  }
0x7: {  	s11 =	ssub.s32 $0x2, s9;
	s31 =	sshll.u32 s0, $0x6;
	p0 =	seq.s32 s9, $0x0  }
0x8: {  	s9 =	simm.s32 $0x63;
	s1 =	sor.u32 s0, s1;
	s29 =	sshrl.u32 s11, $0x1  }
0x9: {  	s9 =	simm.s32 @!p0 $0x3A;
	s6 =	smul.u32 $0x680, s1;
	s1 =	rddreg [dreg:$0x2]  }
0xa: {  	_ =	strace $0x8000004A;
	s26 =	sshrl.u32 s7, $0x3;
	s7 =	sadd.s32 s7, s8  }
0xb: {  	s30 =	sshrl.u32 s28, $0x2;
	s11 =	ssub.s32 s11, s29;
	s7 =	sshrl.u32 s7, $0x3  }
0xc: {  	s13 =	sadd.s32 s30, s2;
	s10 =	sadd.s32 s6, s5;
	s6 =	sadd.s32 s26, s5  }
0xd: {  	s11 =	smax.u32 s11, $0x1;
	s12 =	sadd.s32 s7, s5;
	s5 =	sadd.s32 $0x43C00, s6  }
0xe: {  	s6 =	sor.u32 $0x1C02, s31;
	s7 =	sadd.s32 $0x2A00, s10;
	s8 =	sadd.s32 $0xFA00, s10  }
0xf: {  	s10 =	sadd.s32 $0x6B400, s12;
	s12 =	sshrl.u32 s13, $0x3;
	s13 =	simm.s32 $0x2  }
.LBB2_1:
0x10: {  	[spmem:s12], [sflag:s6] =	dma.local [hbm:s5], $0x2780  }
0x11: {  	_ =	swait.ge [sflag:s13], $0x2780  }
0x12: {  	[sflag:s13] =	ssyncset.done $0x0  }
0x13: {  	[sflag:s13] =	ssyncadd.s32 $0xFFFFD880  }
0x14: {  	[tilespmem:s3], [sflag:$0x2] =	stream.linear.gather [hbm4b:s7+s3], $0x3180, $0x38;
	[tilespmem:$0x1E400] =	vst v63  }
0x15: {  	_ =	swait.ge [sflag:s13], $0x3180  }
0x16: {  	[sflag:s13] =	ssyncset.done $0x0  }
0x17: {  	s18 =	simm.s32 $0x3400;
	[sflag:s13] =	ssyncadd.s32 $0xFFFFCE80  }
0x18: {  	[tilespmem:s18], [sflag:$0x2] =	stream.linear.gather [hbm4b:s8+s3], $0x3180, $0x38;
	[tilespmem:$0x1E400] =	vst v63  }
0x19: {  	_ =	swait.ge [sflag:s13], $0x3180  }
0x1a: {  	[sflag:s13] =	ssyncset.done $0x0  }
0x1b: {  	[sflag:s13] =	ssyncadd.s32 $0xFFFFCE80  }
0x1c: {  	[bflag:$0x0] =	sbarrier.arrive $0xFFFF  }
0x1d: {  	[tilespmem:s15], [sflag:$0x1] =	stream.indirect.gather [hbm4b:s4+s14], $0x80, s3, s14, $0xb8;
	[tilespmem:$0x1E400] =	vst v63  }
0x1e: {  	p0 =	sne.s32 s9, $0x1;
	_ =	swait.ge [sflag:s16], $0x4000  }
.Ltmp0:
0x1f: {  	[sflag:s16] =	ssyncset.done $0x0;
	(pc) =	sbr.rel @!p0 .LBB2_3-.Ltmp0, $4  }
0x20: {  	[sflag:s16] =	ssyncadd.s32 $0xFFFFC000  }
0x21: {  	[spmem:s2] =	stream.indirect.scatter.add.f32 [tilespmem:s15], [sflag:$0x2], $0x80, s18, s14, $0xb8;
	[tilespmem:$0x1E400] =	vst v63  }
0x22: {  	_ =	swait.ge [sflag:s13], $0x4000  }
0x23: {  	s19 =	sadd.s32 $0xFFFFFFFF, s9;
	s20 =	simm.s32 $0x0;
	[sflag:s13] =	ssyncset.done $0x0  }
.LBB2_2:
0x24: {  	[sflag:s13] =	ssyncadd.s32 $0xFFFFC000;
	s20 =	sadd.s32 $0x80, s20;
	s18 =	sadd.s32 $0x80, s18  }
0x25: {  	[tilespmem:s15], [sflag:$0x1] =	stream.indirect.gather [hbm4b:s4+s14], $0x80, s20, s14, $0xb8;
	[tilespmem:$0x1E400] =	vst v63  }
0x26: {  	p0 =	sne.s32 s19, $0x1;
	s19 =	sadd.s32 $0xFFFFFFFF, s19;
	_ =	swait.ge [sflag:s16], $0x4000  }
.Ltmp1:
0x27: {  	[sflag:s16] =	ssyncset.done $0x0;
	(pc) =	sbr.rel @p0 .LBB2_2-.Ltmp1, $4  }
0x28: {  	[sflag:s16] =	ssyncadd.s32 $0xFFFFC000  }
0x29: {  	[spmem:s2] =	stream.indirect.scatter.add.f32 [tilespmem:s15], [sflag:$0x2], $0x80, s18, s14, $0xb8;
	[tilespmem:$0x1E400] =	vst v63  }
0x2a: {  	_ =	swait.ge [sflag:s13], $0x4000  }
0x2b: {  	[sflag:s13] =	ssyncset.done $0x0  }
.LBB2_3:
0x2c: {  	s17 =	sadd.s32 $0x1, s17  }
0x2d: {  	[sflag:s13] =	ssyncadd.s32 $0xFFFFC000;
	p0 =	sne.s32 s17, s11  }
.Ltmp2:
0x2e: {  	[bflag:$0x0] =	sbarrier.arrive $0xFFFF;
	(pc) =	sbr.rel @p0 .LBB2_1-.Ltmp2, $4  }
0x2f: {  	[hbm:s10], [sflag:s6] =	dma.local [spmem:s12], $0x2780  }
0x30: {  	_ =	swait.ge [sflag:s13], $0x2780  }
0x31: {  	[sflag:s13] =	ssyncset.done $0x0  }
0x32: {  	[sflag:s13] =	ssyncadd.s32 $0xFFFFD880  }
0x33: {  	_ =	sfence.sel $0x180000  }
0x34: {  	[bflag:$0x0] =	sbarrier.arrive $0xFFFF  }
0x35: {  	p0 =	sne.s32 s0, $0x0;
	_ =	strace $0x9000004A  }
0x36: {  	s0 =	sadd.s32 @!p0 $0x100000, s1;
	[bflag:$0x2] =	sbarrier.arrive $0xFFFF  }
0x37: {  	[sflag:s0] =	ssyncadd.tile.s32 @!p0 $0x1;
	_ =	shalt  }
.Lfunc_end2:
_tile_overlayer_lowered:
.L_overlay_start_2:
0x38: {  	(tag) =	ssettag $0x2  }
0x39: {  	s0 =	rddreg [dreg:$0x0];
	s2 =	stileid.u32  }
0x3a: {  	s1 =	rddreg [dreg:$0x1];
	p0 =	sne.s32 s2, $0x0  }
0x3b: {  	s3 =	rddreg [dreg:$0x2];
	[bflag:$0x3] =	sbarrier.arrive $0xFFFF;
	s2 =	simm.s32 @!p0 $0x1C02  }
0x3c: {  	[timem:s3], [sflag:s2] =	dma.local @!p0 [hbm:s0], s1  }
0x3d: {  	s0 =	simm.s32 @!p0 $0x2  }
0x3e: {  	_ =	swait.ge @!p0 [sflag:s0], s1  }
0x3f: {  	s1 =	ssub.s32 @!p0 $0x0, s1;
	[sflag:s0] =	ssyncset.done @!p0 $0x0  }
0x40: {  	[sflag:s0] =	ssyncadd.s32 @!p0 s1  }
0x41: {  	[bflag:$0x3] =	sbarrier.arrive $0xFFFF  }
0x42: {  	_ =	shalt  }

// kernel: kernel.7.cloned.1.call-start
scs
__scs_entry_jumppad:
0x0: {  	(pc) =	sbr.rel $0x88, $3  }
0x1: {  	(tag) =	ssettag $0x0;
	lr =	simm.s32 $0x1  }
0x2: {  	[smem:$0x3F8E] =	sst lr;
	_ =	strace $0xD0000000  }
0x3: {  	_ = 	snop  }
0x4: {  	_ = 	snop  }
0x5: {  	_ = 	snop  }
0x6: {  	_ = 	snop  }
0x7: {  	_ = 	snop  }
__scs_overlays_trampoline_lowered:
0x8: {  	[smem:$0x3F9D] =	sst s0  }
0x9: {  	[smem:$0x3F9E] =	sst s1  }
0xa: {  	[smem:$0x3F9F] =	sst s2  }
0xb: {  	[smem:$0x3FA0] =	sst s3  }
0xc: {  	[smem:$0x3FA1] =	sst s4  }
0xd: {  	[smem:$0x3FA2] =	sst s5  }
0xe: {  	[smem:$0x3FA3] =	sst s6  }
0xf: {  	[smem:$0x3FA4] =	sst s7  }
0x10: {  	[smem:$0x3FA5] =	sst s8  }
0x11: {  	[smem:$0x3FA6] =	sst s9;
	s0 =	simm.s32 @!p0 $0x0  }
0x12: {  	s1 =	sld [smem:$0x3F8C];
	s0 =	simm.s32 @p0 $0x1  }
0x13: {  	[smem:$0x3FA7] =	sst s0;
	s0 =	simm.s32 @!p1 $0x0  }
0x14: {  	s2 =	sld [smem:$0x3F8B];
	s0 =	simm.s32 @p1 $0x1  }
0x15: {  	[smem:$0x3FA8] =	sst s0;
	s0 =	simm.s32 @!p2 $0x0  }
0x16: {  	s3 =	sld [smem:$0x3FDB];
	s0 =	simm.s32 @p2 $0x1  }
0x17: {  	s4 =	simm.s32 $0x1BF5;
	[smem:$0x3FAA] =	sst s0  }
0x18: {  	s0 =	sld [smem:$0x3F8D];
	_ =	swait.ge [sflag:s4], $0x0  }
0x19: {  	s7 =	sld [smem:$0x3F8E]  }
0x1a: {  	s8 =	sadd.s32 $0xFFFFE003, lr  }
0x1b: {  	s9 =	sadd.s32 $0xFFFFFEF7, lr;
	s5 =	simm.s32 $0xFFFFFFFF;
	p2 =	slt.u32 s8, $0xFFFFF086  }
0x1c: {  	p1 =	slt.u32 s9, $0xF7A;
	s5 =	simm.s32 @!p2 $0x0  }
0x1d: {  	s5 =	simm.s32 @p1 $0x1;
	p0 =	seq.s32 s7, s2  }
0x1e: {  	s7 =	smul.u32 @!p0 $0xF7A, s2;
	p2 =	seq.s32 @!p0 s5, $0x0  }
0x1f: {  	s9 =	smul.u32 $0xF7A, s1;
	s8 =	simm.s32 @!p0 $0x1BF5;
	p2 =	por !p2, p0  }
0x20: {  	[sflag:s8] =	ssyncset.s32 @!p0 $0xFFFFF086;
	s6 =	sadd.s32 @!p0 s3, s7;
	s7 =	simm.s32 @!p0 $0x108  }
0x21: {  	s3 =	sadd.s32 s3, s9;
	s6 =	sadd.s32 @!p0 $0x88, s6;
	s7 =	simm.s32 @p2 $0x1082  }
0x22: {  	[simem:s7], [sflag:s8] =	dma.local @!p0 [hbm:s6], $0xF7A  }
0x23: {  	s9 =	sor.u32 $0xD0000000, s2;
	s6 =	simm.s32 $0x108;
	_ =	swait.ge @!p0 [sflag:s8], $0x0  }
0x24: {  	s3 =	sadd.s32 $0x88, s3;
	s6 =	simm.s32 @!p1 $0x1082;
	[sflag:s4] =	ssyncset.s32 $0xFFFFF086  }
0x25: {  	[simem:s6], [sflag:s4] =	dma.local [hbm:s3], $0xF7A  }
0x26: {  	[smem:$0x3F8E] =	sst s1;
	(tag) =	ssettag s2;
	_ =	strace s9  }
0x27: {  	s1 =	sld [smem:$0x3F9E]  }
0x28: {  	s2 =	sld [smem:$0x3F9F]  }
0x29: {  	s4 =	sld [smem:$0x3FA1]  }
0x2a: {  	p0 =	seq.s32 s5, $0x0;
	s5 =	sld [smem:$0x3FA2]  }
0x2b: {  	s6 =	sld [smem:$0x3FA3]  }
0x2c: {  	s7 =	sld [smem:$0x3FA4]  }
0x2d: {  	s3 =	simm.s32 $0x108;
	s8 =	sld [smem:$0x3FA5]  }
0x2e: {  	s3 =	simm.s32 @!p0 $0x1082;
	s9 =	sld [smem:$0x3FA6]  }
0x2f: {  	lr =	sadd.s32 s0, s3;
	s0 =	sld [smem:$0x3F9D]  }
0x30: {  	s3 =	sld [smem:$0x3FA0]  }
0x31: {  	[smem:$0x3FA9] =	sst s10  }
0x32: {  	s10 =	sld [smem:$0x3FA7];
	_ =	sdelay $0x3  }
0x33: {  	p0 =	seq.s32 s10, $0x1;
	s10 =	sld [smem:$0x3FA9];
	_ =	sdelay $0x3  }
0x34: {  	[smem:$0x3FA9] =	sst s10  }
0x35: {  	s10 =	sld [smem:$0x3FA8];
	_ =	sdelay $0x3  }
0x36: {  	p1 =	seq.s32 s10, $0x1;
	s10 =	sld [smem:$0x3FA9];
	_ =	sdelay $0x3  }
0x37: {  	[smem:$0x3FA9] =	sst s10  }
0x38: {  	s10 =	sld [smem:$0x3FAA]  }
0x39: {  	_ = 	snop;
	(pc) =	sbr.ind lr, $3  }
0x3a: {  	_ = 	snop  }
0x3b: {  	_ = 	snop  }
0x3c: {  	p2 =	seq.s32 s10, $0x1;
	s10 =	sld [smem:$0x3FA9]  }
0x3d: {  	_ =	shalt  }
0x3e: {  	_ =	shalt  }
0x3f: {  	_ =	shalt  }
0x40: {  	_ =	shalt  }
0x41: {  	_ =	shalt  }
0x42: {  	_ =	shalt  }
0x43: {  	_ =	shalt  }
0x44: {  	_ =	shalt  }
0x45: {  	_ =	shalt  }
0x46: {  	_ =	shalt  }
0x47: {  	_ =	shalt  }
0x48: {  	_ =	shalt  }
0x49: {  	_ =	shalt  }
0x4a: {  	_ =	shalt  }
0x4b: {  	_ =	shalt  }
0x4c: {  	_ =	shalt  }
0x4d: {  	_ =	shalt  }
0x4e: {  	_ =	shalt  }
0x4f: {  	_ =	shalt  }
0x50: {  	_ =	shalt  }
0x51: {  	_ =	shalt  }
0x52: {  	_ =	shalt  }
0x53: {  	_ =	shalt  }
0x54: {  	_ =	shalt  }
0x55: {  	_ =	shalt  }
0x56: {  	_ =	shalt  }
0x57: {  	_ =	shalt  }
0x58: {  	_ =	shalt  }
0x59: {  	_ =	shalt  }
0x5a: {  	_ =	shalt  }
0x5b: {  	_ =	shalt  }
0x5c: {  	_ =	shalt  }
0x5d: {  	_ =	shalt  }
0x5e: {  	_ =	shalt  }
0x5f: {  	_ =	shalt  }
0x60: {  	_ =	shalt  }
0x61: {  	_ =	shalt  }
0x62: {  	_ =	shalt  }
0x63: {  	_ =	shalt  }
0x64: {  	_ =	shalt  }
0x65: {  	_ =	shalt  }
0x66: {  	_ =	shalt  }
0x67: {  	_ =	shalt  }
0x68: {  	_ =	shalt  }
0x69: {  	_ =	shalt  }
0x6a: {  	_ =	shalt  }
0x6b: {  	_ =	shalt  }
0x6c: {  	_ =	shalt  }
0x6d: {  	_ =	shalt  }
0x6e: {  	_ =	shalt  }
0x6f: {  	_ =	shalt  }
0x70: {  	_ =	shalt  }
0x71: {  	_ =	shalt  }
0x72: {  	_ =	shalt  }
0x73: {  	_ =	shalt  }
0x74: {  	_ =	shalt  }
0x75: {  	_ =	shalt  }
0x76: {  	_ =	shalt  }
0x77: {  	_ =	shalt  }
0x78: {  	_ =	shalt  }
0x79: {  	_ =	shalt  }
0x7a: {  	_ =	shalt  }
0x7b: {  	_ =	shalt  }
0x7c: {  	_ =	shalt  }
0x7d: {  	_ =	shalt  }
0x7e: {  	_ =	shalt  }
0x7f: {  	_ =	shalt  }
0x80: {  	_ =	shalt  }
0x81: {  	_ =	shalt  }
0x82: {  	_ =	shalt  }
0x83: {  	_ =	shalt  }
0x84: {  	_ =	shalt  }
0x85: {  	_ =	shalt  }
0x86: {  	_ =	shalt  }
0x87: {  	_ =	shalt  }
.Lfunc_end0:
.L_simem_size_0:
called_computation_lowered:
.L_overlay_start_0:
0x88: {  	s2 =	sld [smem:$0x3FD9]  }
0x89: {  	s3 =	sld [smem:$0x3FFE];
	_ =	sdelay $0x1  }
0x8a: {  	s1 =	srdreg.scid  }
0x8b: {  	s0 =	sand.u32 $0x1, s1  }
0x8c: {  	s16 =	sshll.u32 s0, $0xA;
	s2 =	sadd.s32 s3, s2  }
0x8d: {  	s2 =	sadd.s32 s2, s16  }
0x8e: {  	[smem:$0x3FB5] =	sst s2  }
0x8f: {  	_ = 	snop  }
0x90: {  	(tm) =	ssettm $0x1  }
0x91: {  	s17 =	sld [smem:$0x3FFB];
	_ =	sdelay $0x3  }
0x92: {  	_ =	strace s17  }
0x93: {  	s2 =	sld [smem:$0x3FFC];
	_ =	sdelay $0x3  }
0x94: {  	_ =	strace s2  }
0x95: {  	s2 =	sld [smem:$0x3FFD];
	_ =	sdelay $0x3  }
0x96: {  	_ =	strace s2  }
0x97: {  	_ =	strace $0x8FFFFFFF  }
0x98: {  	s18 =	sld [smem:$0x3FDB];
	_ =	sdelay $0x1  }
0x99: {  	s19 =	simm.s32 $_scs_section_size  }
0x9a: {  	s4 =	simm.s32 $_size__tile_overlayer_lowered;
	s5 =	simm.s32 $_tile_overlayer_lowered  }
0x9b: {  	s22 =	simm.s32 $0x1BFF;
	s21 =	sshll.u32 s5, $0x1;
	s2 =	sadd.s32 s19, s18  }
0x9c: {  	s6 =	simm.s32 $0x0;
	s20 =	sshll.u32 s4, $0x1;
	s4 =	sadd.s32 s21, s2  }
0x9d: {  	[timem:s6], [sflag:s22] =	dma.local [hbm:s4], s20  }
0x9e: {  	_ =	swait.ge [sflag:s22], s20  }
0x9f: {  	s3 =	ssub.s32 $0x0, s20;
	[sflag:s22] =	ssyncset.done $0x0  }
0xa0: {  	[sflag:s22] =	ssyncadd.s32 s3;
	_ =	sdelay $0x1  }
0xa1: {  	s23 =	simm.s32 $0x1B8B  }
0xa2: {  	_ =	swait.ge [sflag:s23], $0x1  }
0xa3: {  	[sflag:s23] =	ssyncset.done $0x0  }
0xa4: {  	s25 =	simm.s32 $0x1B8E;
	s24 =	sld [smem:$0x3FFE];
	[sflag:s23] =	ssyncadd.s32 $0xFFFFFFFF  }
0xa5: {  	s26 =	simm.s32 $execute0_lowered;
	[smem:$0x3FD2] =	sst s25  }
0xa6: {  	s4 =	sshll.u32 s26, $0x1;
	_ =	strace $0x80000046;
	[dreg:$0x1] =	wrdreg $0xFFFFFFFF  }
0xa7: {  	s28 =	simm.s32 $_size_execute0_lowered;
	s2 =	sadd.s32 s2, s4;
	[dreg:$0x0] =	wrdreg $0x0  }
0xa8: {  	s4 =	sshll.u32 s28, $0x1;
	[dreg:$0x2] =	wrdreg s2  }
0xa9: {  	[dreg:$0x3] =	wrdreg s4  }
0xaa: {  	[dreg:$0x4] =	wrdreg $0xC0  }
0xab: {  	_ =	task [dreg:s6], $0x5FFFF  }
0xac: {  	[dreg:$0x1] =	wrdreg $0xFFFFFFFF  }
0xad: {  	[dreg:$0x0] =	wrdreg $0x60  }
0xae: {  	[dreg:$0x2] =	wrdreg s24  }
0xaf: {  	[dreg:$0x3] =	wrdreg $0xA8000  }
0xb0: {  	[dreg:$0x4] =	wrdreg $0x9  }
0xb1: {  	_ =	task.clear_ibuf [dreg:s6], $0x5FFFF;
	_ =	strace $0x90000046  }
0xb2: {  	s29 =	simm.s32 $0x9;
	_ =	strace $0x80000048  }
0xb3: {  	_ =	swait.ge [sflag:s29], $0x1  }
0xb4: {  	[sflag:s29] =	ssyncadd.s32 $0xFFFFFFFF  }
0xb5: {  	_ =	strace $0x90000048  }
0xb6: {  	_ =	sfence  }
0xb7: {  	s30 =	sld [smem:$0x0];
	_ =	sdelay $0x2  }
0xb8: {  	s31 =	sshll.u32 s1, $0xD;
	s1 =	sshrl.u32 s1, $0x2  }
0xb9: {  	s3 =	sand.u32 $0x4000, s31;
	s1 =	sadd.s32 s1, s30  }
0xba: {  	s0 =	sor.u32 s3, s0;
	s1 =	sshll.u32 s1, $0x11  }
0xbb: {  	s0 =	sor.u32 s1, s0  }
0xbc: {  	s0 =	sadd.s32 $0x8F2B, s0  }
0xbd: {  	[sflag:s0] =	ssyncadd.remote.s32 $0x1  }
0xbe: {  	_ =	sfence.sel $0xFFFF  }
0xbf: {  	[dreg:$0x0] =	wrdreg $0xFFFFFFFF;
	(pc) =	sbr.abs _section_cstart, $3  }
0xc0: {  	[dreg:$0x1] =	wrdreg $0xFFFFFFFF  }
0xc1: {  	_ =	task.clear_ibuf [dreg:s6], $0x2FFFF;
	_ =	strace $0x9FFFFFFF  }
0xc2: {  	(tm) =	ssettm $0x7FFFFFFF  }
0xc3: {  	_ =	shalt  }
tec
execute0_lowered:
.L_overlay_start_1:
0x0: {  	(tag) =	ssettag $0x1  }
0x1: {  	s5 =	rddreg [dreg:$0x0]  }
0x2: {  	s0 =	srdreg.scid;
	s2 =	rddreg [dreg:$0x1];
	s3 =	simm.s32 $0x0  }
0x3: {  	s14 =	simm.s32 $0x80;
	s9 =	sand.u32 $0x1, s0;
	s0 =	stileid.u32  }
0x4: {  	s15 =	simm.s32 $0x6800;
	s16 =	simm.s32 $0x1;
	s7 =	smul.u32 $0x13C00, s0  }
0x5: {  	s17 =	simm.s32 $0x0;
	[smem:$0x7FF] =	sst s3;
	s8 =	smul.u32 $0x13C000, s9  }
0x6: {  	s4 =	sadd.s32 $0x1CA00, s5;
	s1 =	sshll.u32 s9, $0x4;
	s28 =	smul.u32 $0x4F000, s0  }
0x7: {  	s11 =	ssub.s32 $0x2, s9;
	s31 =	sshll.u32 s0, $0x6;
	p0 =	seq.s32 s9, $0x0  }
0x8: {  	s9 =	simm.s32 $0x63;
	s1 =	sor.u32 s0, s1;
	s29 =	sshrl.u32 s11, $0x1  }
0x9: {  	s9 =	simm.s32 @!p0 $0x3A;
	s6 =	smul.u32 $0x680, s1;
	s1 =	rddreg [dreg:$0x2]  }
0xa: {  	_ =	strace $0x80000047;
	s26 =	sshrl.u32 s7, $0x3;
	s7 =	sadd.s32 s7, s8  }
0xb: {  	s30 =	sshrl.u32 s28, $0x2;
	s11 =	ssub.s32 s11, s29;
	s7 =	sshrl.u32 s7, $0x3  }
0xc: {  	s13 =	sadd.s32 s30, s2;
	s10 =	sadd.s32 s6, s5;
	s6 =	sadd.s32 s26, s5  }
0xd: {  	s11 =	smax.u32 s11, $0x1;
	s12 =	sadd.s32 s7, s5;
	s5 =	sadd.s32 $0x43C00, s6  }
0xe: {  	s6 =	sor.u32 $0x1C02, s31;
	s7 =	sadd.s32 $0x2A00, s10;
	s8 =	sadd.s32 $0xFA00, s10  }
0xf: {  	s10 =	sadd.s32 $0x6B400, s12;
	s12 =	sshrl.u32 s13, $0x3;
	s13 =	simm.s32 $0x2  }
.LBB2_1:
0x10: {  	[spmem:s12], [sflag:s6] =	dma.local [hbm:s5], $0x2780  }
0x11: {  	_ =	swait.ge [sflag:s13], $0x2780  }
0x12: {  	[sflag:s13] =	ssyncset.done $0x0  }
0x13: {  	[sflag:s13] =	ssyncadd.s32 $0xFFFFD880  }
0x14: {  	[tilespmem:s3], [sflag:$0x2] =	stream.linear.gather [hbm4b:s7+s3], $0x3180, $0x38;
	[tilespmem:$0x1E400] =	vst v63  }
0x15: {  	_ =	swait.ge [sflag:s13], $0x3180  }
0x16: {  	[sflag:s13] =	ssyncset.done $0x0  }
0x17: {  	s18 =	simm.s32 $0x3400;
	[sflag:s13] =	ssyncadd.s32 $0xFFFFCE80  }
0x18: {  	[tilespmem:s18], [sflag:$0x2] =	stream.linear.gather [hbm4b:s8+s3], $0x3180, $0x38;
	[tilespmem:$0x1E400] =	vst v63  }
0x19: {  	_ =	swait.ge [sflag:s13], $0x3180  }
0x1a: {  	[sflag:s13] =	ssyncset.done $0x0  }
0x1b: {  	[sflag:s13] =	ssyncadd.s32 $0xFFFFCE80  }
0x1c: {  	[bflag:$0x0] =	sbarrier.arrive $0xFFFF  }
0x1d: {  	[tilespmem:s15], [sflag:$0x1] =	stream.indirect.gather [hbm4b:s4+s14], $0x80, s3, s14, $0xb8;
	[tilespmem:$0x1E400] =	vst v63  }
0x1e: {  	p0 =	sne.s32 s9, $0x1;
	_ =	swait.ge [sflag:s16], $0x4000  }
.Ltmp0:
0x1f: {  	[sflag:s16] =	ssyncset.done $0x0;
	(pc) =	sbr.rel @!p0 .LBB2_3-.Ltmp0, $4  }
0x20: {  	[sflag:s16] =	ssyncadd.s32 $0xFFFFC000  }
0x21: {  	[spmem:s2] =	stream.indirect.scatter.add.f32 [tilespmem:s15], [sflag:$0x2], $0x80, s18, s14, $0xb8;
	[tilespmem:$0x1E400] =	vst v63  }
0x22: {  	_ =	swait.ge [sflag:s13], $0x4000  }
0x23: {  	s19 =	sadd.s32 $0xFFFFFFFF, s9;
	s20 =	simm.s32 $0x0;
	[sflag:s13] =	ssyncset.done $0x0  }
.LBB2_2:
0x24: {  	[sflag:s13] =	ssyncadd.s32 $0xFFFFC000;
	s20 =	sadd.s32 $0x80, s20;
	s18 =	sadd.s32 $0x80, s18  }
0x25: {  	[tilespmem:s15], [sflag:$0x1] =	stream.indirect.gather [hbm4b:s4+s14], $0x80, s20, s14, $0xb8;
	[tilespmem:$0x1E400] =	vst v63  }
0x26: {  	p0 =	sne.s32 s19, $0x1;
	s19 =	sadd.s32 $0xFFFFFFFF, s19;
	_ =	swait.ge [sflag:s16], $0x4000  }
.Ltmp1:
0x27: {  	[sflag:s16] =	ssyncset.done $0x0;
	(pc) =	sbr.rel @p0 .LBB2_2-.Ltmp1, $4  }
0x28: {  	[sflag:s16] =	ssyncadd.s32 $0xFFFFC000  }
0x29: {  	[spmem:s2] =	stream.indirect.scatter.add.f32 [tilespmem:s15], [sflag:$0x2], $0x80, s18, s14, $0xb8;
	[tilespmem:$0x1E400] =	vst v63  }
0x2a: {  	_ =	swait.ge [sflag:s13], $0x4000  }
0x2b: {  	[sflag:s13] =	ssyncset.done $0x0  }
.LBB2_3:
0x2c: {  	s17 =	sadd.s32 $0x1, s17  }
0x2d: {  	[sflag:s13] =	ssyncadd.s32 $0xFFFFC000;
	p0 =	sne.s32 s17, s11  }
.Ltmp2:
0x2e: {  	[bflag:$0x0] =	sbarrier.arrive $0xFFFF;
	(pc) =	sbr.rel @p0 .LBB2_1-.Ltmp2, $4  }
0x2f: {  	[hbm:s10], [sflag:s6] =	dma.local [spmem:s12], $0x2780  }
0x30: {  	_ =	swait.ge [sflag:s13], $0x2780  }
0x31: {  	[sflag:s13] =	ssyncset.done $0x0  }
0x32: {  	[sflag:s13] =	ssyncadd.s32 $0xFFFFD880  }
0x33: {  	_ =	sfence.sel $0x180000  }
0x34: {  	[bflag:$0x0] =	sbarrier.arrive $0xFFFF  }
0x35: {  	p0 =	sne.s32 s0, $0x0;
	_ =	strace $0x90000047  }
0x36: {  	s0 =	sadd.s32 @!p0 $0x100000, s1;
	[bflag:$0x2] =	sbarrier.arrive $0xFFFF  }
0x37: {  	[sflag:s0] =	ssyncadd.tile.s32 @!p0 $0x1;
	_ =	shalt  }
.Lfunc_end2:
_tile_overlayer_lowered:
.L_overlay_start_2:
0x38: {  	(tag) =	ssettag $0x2  }
0x39: {  	s0 =	rddreg [dreg:$0x0];
	s2 =	stileid.u32  }
0x3a: {  	s1 =	rddreg [dreg:$0x1];
	p0 =	sne.s32 s2, $0x0  }
0x3b: {  	s3 =	rddreg [dreg:$0x2];
	[bflag:$0x3] =	sbarrier.arrive $0xFFFF;
	s2 =	simm.s32 @!p0 $0x1C02  }
0x3c: {  	[timem:s3], [sflag:s2] =	dma.local @!p0 [hbm:s0], s1  }
0x3d: {  	s0 =	simm.s32 @!p0 $0x2  }
0x3e: {  	_ =	swait.ge @!p0 [sflag:s0], s1  }
0x3f: {  	s1 =	ssub.s32 @!p0 $0x0, s1;
	[sflag:s0] =	ssyncset.done @!p0 $0x0  }
0x40: {  	[sflag:s0] =	ssyncadd.s32 @!p0 s1  }
0x41: {  	[bflag:$0x3] =	sbarrier.arrive $0xFFFF  }
0x42: {  	_ =	shalt  }

</sc_bundles>
